<compile_context>
chip_gen: v7x
topology: tpu7x:2x2x1
jax: 0.10.2.dev20260603
libtpu: 0.0.44.dev20260713+nightly
codegen_flags: <defaults>
</compile_context>

<pallas_src>
import functools

import jax
import jax.numpy as jnp
from jax import lax
from jax.experimental import pallas as pl
from jax.experimental.pallas import tpu as pltpu
from jax.experimental.pallas import tpu_sc as plsc

_EPS = 1e-5

_NUM_HW = 100
_EMBED_DIM = 64
_BATCH = 16384

_info = plsc.get_sparse_core_info()
_NC, _NS = _info.num_cores, _info.num_subcores
_NW = _NC * _NS
_B_PER_W = _BATCH // _NW
_LANES = 16
_NFULL = _NUM_HW // _LANES
_OVER = _NUM_HW - _LANES
_NG = _NFULL + 1
_NCHUNK = 4
_B_CHUNK = _B_PER_W // _NCHUNK
_G_CHUNK = _B_CHUNK // _LANES

_mesh = plsc.VectorSubcoreMesh(core_axis_name="c", subcore_axis_name="s")


def _group_off(gi):
    return _LANES * gi if gi < _NFULL else _OVER


@functools.partial(
    pl.kernel,
    mesh=_mesh,
    out_type=jax.ShapeDtypeStruct((_EMBED_DIM, _BATCH), jnp.float32),
    scratch_types=[
        pltpu.VMEM((_EMBED_DIM, _NUM_HW), jnp.float32),
        pltpu.VMEM((_EMBED_DIM,), jnp.float32),
        pltpu.VMEM((_EMBED_DIM,), jnp.float32),
        pltpu.VMEM((_B_PER_W,), jnp.int32),
        pltpu.VMEM((_EMBED_DIM, _B_PER_W), jnp.float32),
        pltpu.SemaphoreType.DMA,
        pltpu.SemaphoreType.DMA,
        pltpu.SemaphoreType.DMA,
    ],
    compiler_params=pltpu.CompilerParams(
        use_tc_tiling_on_sc=True, needs_layout_passes=False),
)
def _sc_fused(idx_hbm, tablet_hbm, gamma_hbm, beta_hbm, out_hbm,
              tbl_t, g_v, b_v, idx_v, rows_v, sem, gsem, osem):
    sid = lax.axis_index("s")
    wid = sid * _NC + lax.axis_index("c")
    base = wid * _B_PER_W

    cp_idx = pltpu.async_copy(idx_hbm.at[pl.ds(base, _B_PER_W)], idx_v, sem)
    cp_g = pltpu.async_copy(gamma_hbm, g_v, gsem)
    cp_b = pltpu.async_copy(beta_hbm, b_v, gsem)
    cp_tbl = pltpu.async_copy(tablet_hbm, tbl_t, sem)
    cp_tbl.wait()

    half = jnp.float32(0.5)
    threehalf = jnp.float32(1.5)
    inv_d = jnp.float32(1.0 / _EMBED_DIM)
    zeros = jnp.zeros((_LANES,), jnp.float32)

    @plsc.parallel_loop(0, _EMBED_DIM, carry=tuple([zeros] * (2 * _NG)))
    def stats(d, acc):
        out = []
        for gi in range(_NG):
            v = tbl_t[d, pl.ds(_group_off(gi), _LANES)]
            out.append(acc[gi] + v)
            out.append(acc[_NG + gi] + v * v)
        return tuple(out[0::2] + out[1::2])

    means = [stats[gi] * inv_d for gi in range(_NG)]
    rstds = []
    for gi in range(_NG):
        var = stats[_NG + gi] * inv_d - means[gi] * means[gi]
        v = var + jnp.float32(_EPS)
        i = plsc.bitcast(v, jnp.int32)
        i = jnp.int32(0x5F3759DF) - (i >> 1)
        y = plsc.bitcast(i, jnp.float32)
        for _ in range(3):
            y = y * (threehalf - half * v * y * y)
        rstds.append(y)

    tail_idx = lax.iota(jnp.int32, _LANES)
    tail_mask = tail_idx >= jnp.int32(_LANES - (_NUM_HW - _NFULL * _LANES))

    cp_g.wait()
    cp_b.wait()

    @plsc.parallel_loop(0, _EMBED_DIM)
    def _(d):
        d16 = jnp.full((_LANES,), d, jnp.int32)
        gd = plsc.load_gather(g_v, [d16])
        bd = plsc.load_gather(b_v, [d16])
        for gi in range(_NFULL):
            x = tbl_t[d, pl.ds(_LANES * gi, _LANES)]
            tbl_t[d, pl.ds(_LANES * gi, _LANES)] = (
                (x - means[gi]) * rstds[gi] * gd + bd)
        x = tbl_t[d, pl.ds(_OVER, _LANES)]
        y = (x - means[_NFULL]) * rstds[_NFULL] * gd + bd
        plsc.store_scatter(tbl_t, [d16, tail_idx + _OVER], y, mask=tail_mask)

    cp_idx.wait()

    copies = []
    for c in range(_NCHUNK):
        @plsc.parallel_loop(c * _G_CHUNK, (c + 1) * _G_CHUNK)
        def _(bg):
            bo = bg * _LANES
            idx16 = idx_v[pl.ds(bo, _LANES)]

            @plsc.parallel_loop(0, _EMBED_DIM, unroll=16)
            def _(d):
                rows_v[d, pl.ds(bo, _LANES)] = plsc.load_gather(
                    tbl_t.at[d], [idx16])

        copies.append(pltpu.async_copy(
            rows_v.at[:, pl.ds(c * _B_CHUNK, _B_CHUNK)],
            out_hbm.at[:, pl.ds(base + c * _B_CHUNK, _B_CHUNK)],
            osem))
    for cp in copies:
        cp.wait()


def kernel(hw_indices, table, gamma, beta):
    out_t = _sc_fused(hw_indices.astype(jnp.int32), table.T, gamma, beta)
    return out_t.T

# --- scband reference (transcript-rebuilt; emitter-appended) ---
"""Pipeline reference for scband-hardware-embedding-23424751633141 (READ-ONLY COPY).

The authoritative reference and input builder live on the scoring server;
editing this copy changes nothing except your own understanding.
"""

import jax, jax.numpy as jnp
import numpy as np

NUM_HW = 100
EMBED_DIM = 64
BATCH = 16384
EPS = 1e-5

def setup_inputs(seed: int = 0) -> dict:
    key = jax.random.key(seed)
    k1, k2, k3 = jax.random.split(key, 3)
    hw_indices = jax.random.randint(k1, (BATCH,), 0, NUM_HW, dtype=jnp.int64 if jax.config.jax_enable_x64 else jnp.int32)
    # nn.Embedding default init: N(0, 1)
    table = jax.random.normal(k2, (NUM_HW, EMBED_DIM), dtype=jnp.float32)
    # nn.LayerNorm default affine params
    gamma = jnp.ones((EMBED_DIM,), dtype=jnp.float32)
    beta = jnp.zeros((EMBED_DIM,), dtype=jnp.float32)
    return {"hw_indices": hw_indices, "table": table, "gamma": gamma, "beta": beta}

def reference(hw_indices, table, gamma, beta):
    # embedding lookup (gather)
    emb = jnp.take(table, hw_indices, axis=0)  # [B, D]
    # LayerNorm over last dim
    mean = jnp.mean(emb, axis=-1, keepdims=True)
    var = jnp.mean(jnp.square(emb - mean), axis=-1, keepdims=True)
    normed = (emb - mean) / jnp.sqrt(var + EPS)
    return normed * gamma + beta

if __name__ == "__main__":
    import jax
    _d = setup_inputs()
    print(jax.jit(kernel)(*tuple(_d.values())))

</pallas_src>

<mosaic_0001>
#map = affine_map<(d0, d1) -> (0)>
#map1 = affine_map<(d0, d1) -> (0, 0)>
module attributes {stable_mosaic.version = 14 : i64} {
  func.func @_sc_fused(%arg0: i32, %arg1: i32, %arg2: memref<16384xi32, #tpu.memory_space<hbm>>, %arg3: memref<64x100xf32, #tpu.memory_space<hbm>>, %arg4: memref<64xf32, #tpu.memory_space<hbm>>, %arg5: memref<64xf32, #tpu.memory_space<hbm>>, %arg6: memref<64x16384xf32, #tpu.memory_space<hbm>>, %arg7: memref<64x100xf32, #tpu.memory_space<vmem>>, %arg8: memref<64xf32, #tpu.memory_space<vmem>>, %arg9: memref<64xf32, #tpu.memory_space<vmem>>, %arg10: memref<512xi32, #tpu.memory_space<vmem>>, %arg11: memref<64x512xf32, #tpu.memory_space<vmem>>, %arg12: memref<!tpu.dma_semaphore, #tpu.memory_space<semaphore_mem>>, %arg13: memref<!tpu.dma_semaphore, #tpu.memory_space<semaphore_mem>>, %arg14: memref<!tpu.dma_semaphore, #tpu.memory_space<semaphore_mem>>) attributes {dimension_semantics = [#tpu.dimension_semantics<core_parallel>, #tpu.dimension_semantics<subcore_parallel>], iteration_bounds = array<i64: 2, 16>, scalar_prefetch = 0 : i64, scratch_operands = 8 : i64, tpu.core_type = #tpu.core_type<sc_vector_subcore>, window_params = [{transform_indices = #map}, {transform_indices = #map1}, {transform_indices = #map}, {transform_indices = #map}, {transform_indices = #map1}]} {
    %mul3A = arith.constant 2 : i32
    %mul3A_0 = arith.muli %arg1, %mul3A : i32
    %add3A = arith.addi %mul3A_0, %arg0 : i32
    %mul3A_1 = arith.constant 512 : i32
    %mul3A_2 = arith.muli %add3A, %mul3A_1 : i32
    %dma_start3A = tpu.memref_slice %arg2[%mul3A_2] : memref<16384xi32, #tpu.memory_space<hbm>> -> memref<512xi32, #tpu.memory_space<hbm>>
    %dma_start3A_3 = tpu.memref_slice %arg2[%mul3A_2] : memref<16384xi32, #tpu.memory_space<hbm>> -> memref<512xi32, #tpu.memory_space<hbm>>
    tpu.enqueue_dma source(%dma_start3A_3 : memref<512xi32, #tpu.memory_space<hbm>>) target(%arg10 : memref<512xi32, #tpu.memory_space<vmem>>) target_semaphore(%arg12 : memref<!tpu.dma_semaphore, #tpu.memory_space<semaphore_mem>>)
    tpu.enqueue_dma source(%arg4 : memref<64xf32, #tpu.memory_space<hbm>>) target(%arg8 : memref<64xf32, #tpu.memory_space<vmem>>) target_semaphore(%arg13 : memref<!tpu.dma_semaphore, #tpu.memory_space<semaphore_mem>>)
    tpu.enqueue_dma source(%arg5 : memref<64xf32, #tpu.memory_space<hbm>>) target(%arg9 : memref<64xf32, #tpu.memory_space<vmem>>) target_semaphore(%arg13 : memref<!tpu.dma_semaphore, #tpu.memory_space<semaphore_mem>>)
    tpu.enqueue_dma source(%arg3 : memref<64x100xf32, #tpu.memory_space<hbm>>) target(%arg7 : memref<64x100xf32, #tpu.memory_space<vmem>>) target_semaphore(%arg12 : memref<!tpu.dma_semaphore, #tpu.memory_space<semaphore_mem>>)
    tpu.wait_dma2 semaphore(%arg12 : memref<!tpu.dma_semaphore, #tpu.memory_space<semaphore_mem>>) src(%arg3 : memref<64x100xf32, #tpu.memory_space<hbm>>) dst(%arg7 : memref<64x100xf32, #tpu.memory_space<vmem>>)
    %broadcast_in_dim3A = arith.constant 0.000000e+00 : f32
    %broadcast_in_dim3A_4 = vector.broadcast %broadcast_in_dim3A : f32 to vector<16xf32>
    %parallel_loop3A = arith.constant 0 : i32
    %parallel_loop3A_5 = arith.constant 64 : i32
    %parallel_loop3A_6 = arith.constant 1 : i32
    %parallel_loop3A_7:14 = scf.for %parallel_loop3A_433 = %parallel_loop3A to %parallel_loop3A_5 step %parallel_loop3A_6 iter_args(%parallel_loop3A_434 = %broadcast_in_dim3A_4, %parallel_loop3A_435 = %broadcast_in_dim3A_4, %parallel_loop3A_436 = %broadcast_in_dim3A_4, %parallel_loop3A_437 = %broadcast_in_dim3A_4, %parallel_loop3A_438 = %broadcast_in_dim3A_4, %parallel_loop3A_439 = %broadcast_in_dim3A_4, %parallel_loop3A_440 = %broadcast_in_dim3A_4, %parallel_loop3A_441 = %broadcast_in_dim3A_4, %parallel_loop3A_442 = %broadcast_in_dim3A_4, %parallel_loop3A_443 = %broadcast_in_dim3A_4, %parallel_loop3A_444 = %broadcast_in_dim3A_4, %parallel_loop3A_445 = %broadcast_in_dim3A_4, %parallel_loop3A_446 = %broadcast_in_dim3A_4, %parallel_loop3A_447 = %broadcast_in_dim3A_4) -> (vector<16xf32>, vector<16xf32>, vector<16xf32>, vector<16xf32>, vector<16xf32>, vector<16xf32>, vector<16xf32>, vector<16xf32>, vector<16xf32>, vector<16xf32>, vector<16xf32>, vector<16xf32>, vector<16xf32>, vector<16xf32>)  : i32 {
      %parallel_loop3A_448 = arith.index_cast %parallel_loop3A_433 : i32 to index
      %parallel_loop3A_449 = arith.constant 0 : index
      %parallel_loop3A_450 = tpu.vector_load %arg7[%parallel_loop3A_448, %parallel_loop3A_449] {strides = array<i32>} : memref<64x100xf32, #tpu.memory_space<vmem>>, vector<16xf32>,
      %parallel_loop3A_451 = arith.addf %parallel_loop3A_434, %parallel_loop3A_450 : vector<16xf32>
      %parallel_loop3A_452 = arith.mulf %parallel_loop3A_450, %parallel_loop3A_450 : vector<16xf32>
      %parallel_loop3A_453 = arith.addf %parallel_loop3A_441, %parallel_loop3A_452 : vector<16xf32>
      %parallel_loop3A_454 = arith.index_cast %parallel_loop3A_433 : i32 to index
      %parallel_loop3A_455 = arith.constant 16 : index
      %parallel_loop3A_456 = tpu.vector_load %arg7[%parallel_loop3A_454, %parallel_loop3A_455] {strides = array<i32>} : memref<64x100xf32, #tpu.memory_space<vmem>>, vector<16xf32>,
      %parallel_loop3A_457 = arith.addf %parallel_loop3A_435, %parallel_loop3A_456 : vector<16xf32>
      %parallel_loop3A_458 = arith.mulf %parallel_loop3A_456, %parallel_loop3A_456 : vector<16xf32>
      %parallel_loop3A_459 = arith.addf %parallel_loop3A_442, %parallel_loop3A_458 : vector<16xf32>
      %parallel_loop3A_460 = arith.index_cast %parallel_loop3A_433 : i32 to index
      %parallel_loop3A_461 = arith.constant 32 : index
      %parallel_loop3A_462 = tpu.vector_load %arg7[%parallel_loop3A_460, %parallel_loop3A_461] {strides = array<i32>} : memref<64x100xf32, #tpu.memory_space<vmem>>, vector<16xf32>,
      %parallel_loop3A_463 = arith.addf %parallel_loop3A_436, %parallel_loop3A_462 : vector<16xf32>
      %parallel_loop3A_464 = arith.mulf %parallel_loop3A_462, %parallel_loop3A_462 : vector<16xf32>
      %parallel_loop3A_465 = arith.addf %parallel_loop3A_443, %parallel_loop3A_464 : vector<16xf32>
      %parallel_loop3A_466 = arith.index_cast %parallel_loop3A_433 : i32 to index
      %parallel_loop3A_467 = arith.constant 48 : index
      %parallel_loop3A_468 = tpu.vector_load %arg7[%parallel_loop3A_466, %parallel_loop3A_467] {strides = array<i32>} : memref<64x100xf32, #tpu.memory_space<vmem>>, vector<16xf32>,
      %parallel_loop3A_469 = arith.addf %parallel_loop3A_437, %parallel_loop3A_468 : vector<16xf32>
      %parallel_loop3A_470 = arith.mulf %parallel_loop3A_468, %parallel_loop3A_468 : vector<16xf32>
      %parallel_loop3A_471 = arith.addf %parallel_loop3A_444, %parallel_loop3A_470 : vector<16xf32>
      %parallel_loop3A_472 = arith.index_cast %parallel_loop3A_433 : i32 to index
      %parallel_loop3A_473 = arith.constant 64 : index
      %parallel_loop3A_474 = tpu.vector_load %arg7[%parallel_loop3A_472, %parallel_loop3A_473] {strides = array<i32>} : memref<64x100xf32, #tpu.memory_space<vmem>>, vector<16xf32>,
      %parallel_loop3A_475 = arith.addf %parallel_loop3A_438, %parallel_loop3A_474 : vector<16xf32>
      %parallel_loop3A_476 = arith.mulf %parallel_loop3A_474, %parallel_loop3A_474 : vector<16xf32>
      %parallel_loop3A_477 = arith.addf %parallel_loop3A_445, %parallel_loop3A_476 : vector<16xf32>
      %parallel_loop3A_478 = arith.index_cast %parallel_loop3A_433 : i32 to index
      %parallel_loop3A_479 = arith.constant 80 : index
      %parallel_loop3A_480 = tpu.vector_load %arg7[%parallel_loop3A_478, %parallel_loop3A_479] {strides = array<i32>} : memref<64x100xf32, #tpu.memory_space<vmem>>, vector<16xf32>,
      %parallel_loop3A_481 = arith.addf %parallel_loop3A_439, %parallel_loop3A_480 : vector<16xf32>
      %parallel_loop3A_482 = arith.mulf %parallel_loop3A_480, %parallel_loop3A_480 : vector<16xf32>
      %parallel_loop3A_483 = arith.addf %parallel_loop3A_446, %parallel_loop3A_482 : vector<16xf32>
      %parallel_loop3A_484 = arith.index_cast %parallel_loop3A_433 : i32 to index
      %parallel_loop3A_485 = arith.constant 84 : index
      %parallel_loop3A_486 = tpu.vector_load %arg7[%parallel_loop3A_484, %parallel_loop3A_485] {strides = array<i32>} : memref<64x100xf32, #tpu.memory_space<vmem>>, vector<16xf32>,
      %parallel_loop3A_487 = arith.addf %parallel_loop3A_440, %parallel_loop3A_486 : vector<16xf32>
      %parallel_loop3A_488 = arith.mulf %parallel_loop3A_486, %parallel_loop3A_486 : vector<16xf32>
      %parallel_loop3A_489 = arith.addf %parallel_loop3A_447, %parallel_loop3A_488 : vector<16xf32>
      scf.yield %parallel_loop3A_451, %parallel_loop3A_457, %parallel_loop3A_463, %parallel_loop3A_469, %parallel_loop3A_475, %parallel_loop3A_481, %parallel_loop3A_487, %parallel_loop3A_453, %parallel_loop3A_459, %parallel_loop3A_465, %parallel_loop3A_471, %parallel_loop3A_477, %parallel_loop3A_483, %parallel_loop3A_489 : vector<16xf32>, vector<16xf32>, vector<16xf32>, vector<16xf32>, vector<16xf32>, vector<16xf32>, vector<16xf32>, vector<16xf32>, vector<16xf32>, vector<16xf32>, vector<16xf32>, vector<16xf32>, vector<16xf32>, vector<16xf32>
    } {sc.loop_unroll_factor = 1 : i64, sc.parallel_access}
    %mul3A_8 = arith.constant 1.562500e-02 : f32
    %mul3A_9 = vector.broadcast %mul3A_8 : f32 to vector<16xf32>
    %mul3A_10 = arith.mulf %parallel_loop3A_7#0, %mul3A_9 : vector<16xf32>
    %mul3A_11 = arith.constant 1.562500e-02 : f32
    %mul3A_12 = vector.broadcast %mul3A_11 : f32 to vector<16xf32>
    %mul3A_13 = arith.mulf %parallel_loop3A_7#1, %mul3A_12 : vector<16xf32>
    %mul3A_14 = arith.constant 1.562500e-02 : f32
    %mul3A_15 = vector.broadcast %mul3A_14 : f32 to vector<16xf32>
    %mul3A_16 = arith.mulf %parallel_loop3A_7#2, %mul3A_15 : vector<16xf32>
    %mul3A_17 = arith.constant 1.562500e-02 : f32
    %mul3A_18 = vector.broadcast %mul3A_17 : f32 to vector<16xf32>
    %mul3A_19 = arith.mulf %parallel_loop3A_7#3, %mul3A_18 : vector<16xf32>
    %mul3A_20 = arith.constant 1.562500e-02 : f32
    %mul3A_21 = vector.broadcast %mul3A_20 : f32 to vector<16xf32>
    %mul3A_22 = arith.mulf %parallel_loop3A_7#4, %mul3A_21 : vector<16xf32>
    %mul3A_23 = arith.constant 1.562500e-02 : f32
    %mul3A_24 = vector.broadcast %mul3A_23 : f32 to vector<16xf32>
    %mul3A_25 = arith.mulf %parallel_loop3A_7#5, %mul3A_24 : vector<16xf32>
    %mul3A_26 = arith.constant 1.562500e-02 : f32
    %mul3A_27 = vector.broadcast %mul3A_26 : f32 to vector<16xf32>
    %mul3A_28 = arith.mulf %parallel_loop3A_7#6, %mul3A_27 : vector<16xf32>
    %mul3A_29 = arith.constant 1.562500e-02 : f32
    %mul3A_30 = vector.broadcast %mul3A_29 : f32 to vector<16xf32>
    %mul3A_31 = arith.mulf %parallel_loop3A_7#7, %mul3A_30 : vector<16xf32>
    %mul3A_32 = arith.mulf %mul3A_10, %mul3A_10 : vector<16xf32>
    %sub3A = arith.subf %mul3A_31, %mul3A_32 : vector<16xf32>
    %add3A_33 = arith.constant 9.99999974E-6 : f32
    %add3A_34 = vector.broadcast %add3A_33 : f32 to vector<16xf32>
    %add3A_35 = arith.addf %sub3A, %add3A_34 : vector<16xf32>
    %bitcast3A = vector.bitcast %add3A_35 : vector<16xf32> to vector<16xi32>
    %shift_right_arithmetic3A = arith.constant 1 : i32
    %shift_right_arithmetic3A_36 = vector.broadcast %shift_right_arithmetic3A : i32 to vector<16xi32>
    %shift_right_arithmetic3A_37 = arith.shrsi %bitcast3A, %shift_right_arithmetic3A_36 : vector<16xi32>
    %sub3A_38 = arith.constant 1597463007 : i32
    %sub3A_39 = vector.broadcast %sub3A_38 : i32 to vector<16xi32>
    %sub3A_40 = arith.subi %sub3A_39, %shift_right_arithmetic3A_37 : vector<16xi32>
    %bitcast3A_41 = vector.bitcast %sub3A_40 : vector<16xi32> to vector<16xf32>
    %mul3A_42 = arith.constant 5.000000e-01 : f32
    %mul3A_43 = vector.broadcast %mul3A_42 : f32 to vector<16xf32>
    %mul3A_44 = arith.mulf %mul3A_43, %add3A_35 : vector<16xf32>
    %mul3A_45 = arith.mulf %mul3A_44, %bitcast3A_41 : vector<16xf32>
    %mul3A_46 = arith.mulf %mul3A_45, %bitcast3A_41 : vector<16xf32>
    %sub3A_47 = arith.constant 1.500000e+00 : f32
    %sub3A_48 = vector.broadcast %sub3A_47 : f32 to vector<16xf32>
    %sub3A_49 = arith.subf %sub3A_48, %mul3A_46 : vector<16xf32>
    %mul3A_50 = arith.mulf %bitcast3A_41, %sub3A_49 : vector<16xf32>
    %mul3A_51 = arith.constant 5.000000e-01 : f32
    %mul3A_52 = vector.broadcast %mul3A_51 : f32 to vector<16xf32>
    %mul3A_53 = arith.mulf %mul3A_52, %add3A_35 : vector<16xf32>
    %mul3A_54 = arith.mulf %mul3A_53, %mul3A_50 : vector<16xf32>
    %mul3A_55 = arith.mulf %mul3A_54, %mul3A_50 : vector<16xf32>
    %sub3A_56 = arith.constant 1.500000e+00 : f32
    %sub3A_57 = vector.broadcast %sub3A_56 : f32 to vector<16xf32>
    %sub3A_58 = arith.subf %sub3A_57, %mul3A_55 : vector<16xf32>
    %mul3A_59 = arith.mulf %mul3A_50, %sub3A_58 : vector<16xf32>
    %mul3A_60 = arith.constant 5.000000e-01 : f32
    %mul3A_61 = vector.broadcast %mul3A_60 : f32 to vector<16xf32>
    %mul3A_62 = arith.mulf %mul3A_61, %add3A_35 : vector<16xf32>
    %mul3A_63 = arith.mulf %mul3A_62, %mul3A_59 : vector<16xf32>
    %mul3A_64 = arith.mulf %mul3A_63, %mul3A_59 : vector<16xf32>
    %sub3A_65 = arith.constant 1.500000e+00 : f32
    %sub3A_66 = vector.broadcast %sub3A_65 : f32 to vector<16xf32>
    %sub3A_67 = arith.subf %sub3A_66, %mul3A_64 : vector<16xf32>
    %mul3A_68 = arith.mulf %mul3A_59, %sub3A_67 : vector<16xf32>
    %mul3A_69 = arith.constant 1.562500e-02 : f32
    %mul3A_70 = vector.broadcast %mul3A_69 : f32 to vector<16xf32>
    %mul3A_71 = arith.mulf %parallel_loop3A_7#8, %mul3A_70 : vector<16xf32>
    %mul3A_72 = arith.mulf %mul3A_13, %mul3A_13 : vector<16xf32>
    %sub3A_73 = arith.subf %mul3A_71, %mul3A_72 : vector<16xf32>
    %add3A_74 = arith.constant 9.99999974E-6 : f32
    %add3A_75 = vector.broadcast %add3A_74 : f32 to vector<16xf32>
    %add3A_76 = arith.addf %sub3A_73, %add3A_75 : vector<16xf32>
    %bitcast3A_77 = vector.bitcast %add3A_76 : vector<16xf32> to vector<16xi32>
    %shift_right_arithmetic3A_78 = arith.constant 1 : i32
    %shift_right_arithmetic3A_79 = vector.broadcast %shift_right_arithmetic3A_78 : i32 to vector<16xi32>
    %shift_right_arithmetic3A_80 = arith.shrsi %bitcast3A_77, %shift_right_arithmetic3A_79 : vector<16xi32>
    %sub3A_81 = arith.constant 1597463007 : i32
    %sub3A_82 = vector.broadcast %sub3A_81 : i32 to vector<16xi32>
    %sub3A_83 = arith.subi %sub3A_82, %shift_right_arithmetic3A_80 : vector<16xi32>
    %bitcast3A_84 = vector.bitcast %sub3A_83 : vector<16xi32> to vector<16xf32>
    %mul3A_85 = arith.constant 5.000000e-01 : f32
    %mul3A_86 = vector.broadcast %mul3A_85 : f32 to vector<16xf32>
    %mul3A_87 = arith.mulf %mul3A_86, %add3A_76 : vector<16xf32>
    %mul3A_88 = arith.mulf %mul3A_87, %bitcast3A_84 : vector<16xf32>
    %mul3A_89 = arith.mulf %mul3A_88, %bitcast3A_84 : vector<16xf32>
    %sub3A_90 = arith.constant 1.500000e+00 : f32
    %sub3A_91 = vector.broadcast %sub3A_90 : f32 to vector<16xf32>
    %sub3A_92 = arith.subf %sub3A_91, %mul3A_89 : vector<16xf32>
    %mul3A_93 = arith.mulf %bitcast3A_84, %sub3A_92 : vector<16xf32>
    %mul3A_94 = arith.constant 5.000000e-01 : f32
    %mul3A_95 = vector.broadcast %mul3A_94 : f32 to vector<16xf32>
    %mul3A_96 = arith.mulf %mul3A_95, %add3A_76 : vector<16xf32>
    %mul3A_97 = arith.mulf %mul3A_96, %mul3A_93 : vector<16xf32>
    %mul3A_98 = arith.mulf %mul3A_97, %mul3A_93 : vector<16xf32>
    %sub3A_99 = arith.constant 1.500000e+00 : f32
    %sub3A_100 = vector.broadcast %sub3A_99 : f32 to vector<16xf32>
    %sub3A_101 = arith.subf %sub3A_100, %mul3A_98 : vector<16xf32>
    %mul3A_102 = arith.mulf %mul3A_93, %sub3A_101 : vector<16xf32>
    %mul3A_103 = arith.constant 5.000000e-01 : f32
    %mul3A_104 = vector.broadcast %mul3A_103 : f32 to vector<16xf32>
    %mul3A_105 = arith.mulf %mul3A_104, %add3A_76 : vector<16xf32>
    %mul3A_106 = arith.mulf %mul3A_105, %mul3A_102 : vector<16xf32>
    %mul3A_107 = arith.mulf %mul3A_106, %mul3A_102 : vector<16xf32>
    %sub3A_108 = arith.constant 1.500000e+00 : f32
    %sub3A_109 = vector.broadcast %sub3A_108 : f32 to vector<16xf32>
    %sub3A_110 = arith.subf %sub3A_109, %mul3A_107 : vector<16xf32>
    %mul3A_111 = arith.mulf %mul3A_102, %sub3A_110 : vector<16xf32>
    %mul3A_112 = arith.constant 1.562500e-02 : f32
    %mul3A_113 = vector.broadcast %mul3A_112 : f32 to vector<16xf32>
    %mul3A_114 = arith.mulf %parallel_loop3A_7#9, %mul3A_113 : vector<16xf32>
    %mul3A_115 = arith.mulf %mul3A_16, %mul3A_16 : vector<16xf32>
    %sub3A_116 = arith.subf %mul3A_114, %mul3A_115 : vector<16xf32>
    %add3A_117 = arith.constant 9.99999974E-6 : f32
    %add3A_118 = vector.broadcast %add3A_117 : f32 to vector<16xf32>
    %add3A_119 = arith.addf %sub3A_116, %add3A_118 : vector<16xf32>
    %bitcast3A_120 = vector.bitcast %add3A_119 : vector<16xf32> to vector<16xi32>
    %shift_right_arithmetic3A_121 = arith.constant 1 : i32
    %shift_right_arithmetic3A_122 = vector.broadcast %shift_right_arithmetic3A_121 : i32 to vector<16xi32>
    %shift_right_arithmetic3A_123 = arith.shrsi %bitcast3A_120, %shift_right_arithmetic3A_122 : vector<16xi32>
    %sub3A_124 = arith.constant 1597463007 : i32
    %sub3A_125 = vector.broadcast %sub3A_124 : i32 to vector<16xi32>
    %sub3A_126 = arith.subi %sub3A_125, %shift_right_arithmetic3A_123 : vector<16xi32>
    %bitcast3A_127 = vector.bitcast %sub3A_126 : vector<16xi32> to vector<16xf32>
    %mul3A_128 = arith.constant 5.000000e-01 : f32
    %mul3A_129 = vector.broadcast %mul3A_128 : f32 to vector<16xf32>
    %mul3A_130 = arith.mulf %mul3A_129, %add3A_119 : vector<16xf32>
    %mul3A_131 = arith.mulf %mul3A_130, %bitcast3A_127 : vector<16xf32>
    %mul3A_132 = arith.mulf %mul3A_131, %bitcast3A_127 : vector<16xf32>
    %sub3A_133 = arith.constant 1.500000e+00 : f32
    %sub3A_134 = vector.broadcast %sub3A_133 : f32 to vector<16xf32>
    %sub3A_135 = arith.subf %sub3A_134, %mul3A_132 : vector<16xf32>
    %mul3A_136 = arith.mulf %bitcast3A_127, %sub3A_135 : vector<16xf32>
    %mul3A_137 = arith.constant 5.000000e-01 : f32
    %mul3A_138 = vector.broadcast %mul3A_137 : f32 to vector<16xf32>
    %mul3A_139 = arith.mulf %mul3A_138, %add3A_119 : vector<16xf32>
    %mul3A_140 = arith.mulf %mul3A_139, %mul3A_136 : vector<16xf32>
    %mul3A_141 = arith.mulf %mul3A_140, %mul3A_136 : vector<16xf32>
    %sub3A_142 = arith.constant 1.500000e+00 : f32
    %sub3A_143 = vector.broadcast %sub3A_142 : f32 to vector<16xf32>
    %sub3A_144 = arith.subf %sub3A_143, %mul3A_141 : vector<16xf32>
    %mul3A_145 = arith.mulf %mul3A_136, %sub3A_144 : vector<16xf32>
    %mul3A_146 = arith.constant 5.000000e-01 : f32
    %mul3A_147 = vector.broadcast %mul3A_146 : f32 to vector<16xf32>
    %mul3A_148 = arith.mulf %mul3A_147, %add3A_119 : vector<16xf32>
    %mul3A_149 = arith.mulf %mul3A_148, %mul3A_145 : vector<16xf32>
    %mul3A_150 = arith.mulf %mul3A_149, %mul3A_145 : vector<16xf32>
    %sub3A_151 = arith.constant 1.500000e+00 : f32
    %sub3A_152 = vector.broadcast %sub3A_151 : f32 to vector<16xf32>
    %sub3A_153 = arith.subf %sub3A_152, %mul3A_150 : vector<16xf32>
    %mul3A_154 = arith.mulf %mul3A_145, %sub3A_153 : vector<16xf32>
    %mul3A_155 = arith.constant 1.562500e-02 : f32
    %mul3A_156 = vector.broadcast %mul3A_155 : f32 to vector<16xf32>
    %mul3A_157 = arith.mulf %parallel_loop3A_7#10, %mul3A_156 : vector<16xf32>
    %mul3A_158 = arith.mulf %mul3A_19, %mul3A_19 : vector<16xf32>
    %sub3A_159 = arith.subf %mul3A_157, %mul3A_158 : vector<16xf32>
    %add3A_160 = arith.constant 9.99999974E-6 : f32
    %add3A_161 = vector.broadcast %add3A_160 : f32 to vector<16xf32>
    %add3A_162 = arith.addf %sub3A_159, %add3A_161 : vector<16xf32>
    %bitcast3A_163 = vector.bitcast %add3A_162 : vector<16xf32> to vector<16xi32>
    %shift_right_arithmetic3A_164 = arith.constant 1 : i32
    %shift_right_arithmetic3A_165 = vector.broadcast %shift_right_arithmetic3A_164 : i32 to vector<16xi32>
    %shift_right_arithmetic3A_166 = arith.shrsi %bitcast3A_163, %shift_right_arithmetic3A_165 : vector<16xi32>
    %sub3A_167 = arith.constant 1597463007 : i32
    %sub3A_168 = vector.broadcast %sub3A_167 : i32 to vector<16xi32>
    %sub3A_169 = arith.subi %sub3A_168, %shift_right_arithmetic3A_166 : vector<16xi32>
    %bitcast3A_170 = vector.bitcast %sub3A_169 : vector<16xi32> to vector<16xf32>
    %mul3A_171 = arith.constant 5.000000e-01 : f32
    %mul3A_172 = vector.broadcast %mul3A_171 : f32 to vector<16xf32>
    %mul3A_173 = arith.mulf %mul3A_172, %add3A_162 : vector<16xf32>
    %mul3A_174 = arith.mulf %mul3A_173, %bitcast3A_170 : vector<16xf32>
    %mul3A_175 = arith.mulf %mul3A_174, %bitcast3A_170 : vector<16xf32>
    %sub3A_176 = arith.constant 1.500000e+00 : f32
    %sub3A_177 = vector.broadcast %sub3A_176 : f32 to vector<16xf32>
    %sub3A_178 = arith.subf %sub3A_177, %mul3A_175 : vector<16xf32>
    %mul3A_179 = arith.mulf %bitcast3A_170, %sub3A_178 : vector<16xf32>
    %mul3A_180 = arith.constant 5.000000e-01 : f32
    %mul3A_181 = vector.broadcast %mul3A_180 : f32 to vector<16xf32>
    %mul3A_182 = arith.mulf %mul3A_181, %add3A_162 : vector<16xf32>
    %mul3A_183 = arith.mulf %mul3A_182, %mul3A_179 : vector<16xf32>
    %mul3A_184 = arith.mulf %mul3A_183, %mul3A_179 : vector<16xf32>
    %sub3A_185 = arith.constant 1.500000e+00 : f32
    %sub3A_186 = vector.broadcast %sub3A_185 : f32 to vector<16xf32>
    %sub3A_187 = arith.subf %sub3A_186, %mul3A_184 : vector<16xf32>
    %mul3A_188 = arith.mulf %mul3A_179, %sub3A_187 : vector<16xf32>
    %mul3A_189 = arith.constant 5.000000e-01 : f32
    %mul3A_190 = vector.broadcast %mul3A_189 : f32 to vector<16xf32>
    %mul3A_191 = arith.mulf %mul3A_190, %add3A_162 : vector<16xf32>
    %mul3A_192 = arith.mulf %mul3A_191, %mul3A_188 : vector<16xf32>
    %mul3A_193 = arith.mulf %mul3A_192, %mul3A_188 : vector<16xf32>
    %sub3A_194 = arith.constant 1.500000e+00 : f32
    %sub3A_195 = vector.broadcast %sub3A_194 : f32 to vector<16xf32>
    %sub3A_196 = arith.subf %sub3A_195, %mul3A_193 : vector<16xf32>
    %mul3A_197 = arith.mulf %mul3A_188, %sub3A_196 : vector<16xf32>
    %mul3A_198 = arith.constant 1.562500e-02 : f32
    %mul3A_199 = vector.broadcast %mul3A_198 : f32 to vector<16xf32>
    %mul3A_200 = arith.mulf %parallel_loop3A_7#11, %mul3A_199 : vector<16xf32>
    %mul3A_201 = arith.mulf %mul3A_22, %mul3A_22 : vector<16xf32>
    %sub3A_202 = arith.subf %mul3A_200, %mul3A_201 : vector<16xf32>
    %add3A_203 = arith.constant 9.99999974E-6 : f32
    %add3A_204 = vector.broadcast %add3A_203 : f32 to vector<16xf32>
    %add3A_205 = arith.addf %sub3A_202, %add3A_204 : vector<16xf32>
    %bitcast3A_206 = vector.bitcast %add3A_205 : vector<16xf32> to vector<16xi32>
    %shift_right_arithmetic3A_207 = arith.constant 1 : i32
    %shift_right_arithmetic3A_208 = vector.broadcast %shift_right_arithmetic3A_207 : i32 to vector<16xi32>
    %shift_right_arithmetic3A_209 = arith.shrsi %bitcast3A_206, %shift_right_arithmetic3A_208 : vector<16xi32>
    %sub3A_210 = arith.constant 1597463007 : i32
    %sub3A_211 = vector.broadcast %sub3A_210 : i32 to vector<16xi32>
    %sub3A_212 = arith.subi %sub3A_211, %shift_right_arithmetic3A_209 : vector<16xi32>
    %bitcast3A_213 = vector.bitcast %sub3A_212 : vector<16xi32> to vector<16xf32>
    %mul3A_214 = arith.constant 5.000000e-01 : f32
    %mul3A_215 = vector.broadcast %mul3A_214 : f32 to vector<16xf32>
    %mul3A_216 = arith.mulf %mul3A_215, %add3A_205 : vector<16xf32>
    %mul3A_217 = arith.mulf %mul3A_216, %bitcast3A_213 : vector<16xf32>
    %mul3A_218 = arith.mulf %mul3A_217, %bitcast3A_213 : vector<16xf32>
    %sub3A_219 = arith.constant 1.500000e+00 : f32
    %sub3A_220 = vector.broadcast %sub3A_219 : f32 to vector<16xf32>
    %sub3A_221 = arith.subf %sub3A_220, %mul3A_218 : vector<16xf32>
    %mul3A_222 = arith.mulf %bitcast3A_213, %sub3A_221 : vector<16xf32>
    %mul3A_223 = arith.constant 5.000000e-01 : f32
    %mul3A_224 = vector.broadcast %mul3A_223 : f32 to vector<16xf32>
    %mul3A_225 = arith.mulf %mul3A_224, %add3A_205 : vector<16xf32>
    %mul3A_226 = arith.mulf %mul3A_225, %mul3A_222 : vector<16xf32>
    %mul3A_227 = arith.mulf %mul3A_226, %mul3A_222 : vector<16xf32>
    %sub3A_228 = arith.constant 1.500000e+00 : f32
    %sub3A_229 = vector.broadcast %sub3A_228 : f32 to vector<16xf32>
    %sub3A_230 = arith.subf %sub3A_229, %mul3A_227 : vector<16xf32>
    %mul3A_231 = arith.mulf %mul3A_222, %sub3A_230 : vector<16xf32>
    %mul3A_232 = arith.constant 5.000000e-01 : f32
    %mul3A_233 = vector.broadcast %mul3A_232 : f32 to vector<16xf32>
    %mul3A_234 = arith.mulf %mul3A_233, %add3A_205 : vector<16xf32>
    %mul3A_235 = arith.mulf %mul3A_234, %mul3A_231 : vector<16xf32>
    %mul3A_236 = arith.mulf %mul3A_235, %mul3A_231 : vector<16xf32>
    %sub3A_237 = arith.constant 1.500000e+00 : f32
    %sub3A_238 = vector.broadcast %sub3A_237 : f32 to vector<16xf32>
    %sub3A_239 = arith.subf %sub3A_238, %mul3A_236 : vector<16xf32>
    %mul3A_240 = arith.mulf %mul3A_231, %sub3A_239 : vector<16xf32>
    %mul3A_241 = arith.constant 1.562500e-02 : f32
    %mul3A_242 = vector.broadcast %mul3A_241 : f32 to vector<16xf32>
    %mul3A_243 = arith.mulf %parallel_loop3A_7#12, %mul3A_242 : vector<16xf32>
    %mul3A_244 = arith.mulf %mul3A_25, %mul3A_25 : vector<16xf32>
    %sub3A_245 = arith.subf %mul3A_243, %mul3A_244 : vector<16xf32>
    %add3A_246 = arith.constant 9.99999974E-6 : f32
    %add3A_247 = vector.broadcast %add3A_246 : f32 to vector<16xf32>
    %add3A_248 = arith.addf %sub3A_245, %add3A_247 : vector<16xf32>
    %bitcast3A_249 = vector.bitcast %add3A_248 : vector<16xf32> to vector<16xi32>
    %shift_right_arithmetic3A_250 = arith.constant 1 : i32
    %shift_right_arithmetic3A_251 = vector.broadcast %shift_right_arithmetic3A_250 : i32 to vector<16xi32>
    %shift_right_arithmetic3A_252 = arith.shrsi %bitcast3A_249, %shift_right_arithmetic3A_251 : vector<16xi32>
    %sub3A_253 = arith.constant 1597463007 : i32
    %sub3A_254 = vector.broadcast %sub3A_253 : i32 to vector<16xi32>
    %sub3A_255 = arith.subi %sub3A_254, %shift_right_arithmetic3A_252 : vector<16xi32>
    %bitcast3A_256 = vector.bitcast %sub3A_255 : vector<16xi32> to vector<16xf32>
    %mul3A_257 = arith.constant 5.000000e-01 : f32
    %mul3A_258 = vector.broadcast %mul3A_257 : f32 to vector<16xf32>
    %mul3A_259 = arith.mulf %mul3A_258, %add3A_248 : vector<16xf32>
    %mul3A_260 = arith.mulf %mul3A_259, %bitcast3A_256 : vector<16xf32>
    %mul3A_261 = arith.mulf %mul3A_260, %bitcast3A_256 : vector<16xf32>
    %sub3A_262 = arith.constant 1.500000e+00 : f32
    %sub3A_263 = vector.broadcast %sub3A_262 : f32 to vector<16xf32>
    %sub3A_264 = arith.subf %sub3A_263, %mul3A_261 : vector<16xf32>
    %mul3A_265 = arith.mulf %bitcast3A_256, %sub3A_264 : vector<16xf32>
    %mul3A_266 = arith.constant 5.000000e-01 : f32
    %mul3A_267 = vector.broadcast %mul3A_266 : f32 to vector<16xf32>
    %mul3A_268 = arith.mulf %mul3A_267, %add3A_248 : vector<16xf32>
    %mul3A_269 = arith.mulf %mul3A_268, %mul3A_265 : vector<16xf32>
    %mul3A_270 = arith.mulf %mul3A_269, %mul3A_265 : vector<16xf32>
    %sub3A_271 = arith.constant 1.500000e+00 : f32
    %sub3A_272 = vector.broadcast %sub3A_271 : f32 to vector<16xf32>
    %sub3A_273 = arith.subf %sub3A_272, %mul3A_270 : vector<16xf32>
    %mul3A_274 = arith.mulf %mul3A_265, %sub3A_273 : vector<16xf32>
    %mul3A_275 = arith.constant 5.000000e-01 : f32
    %mul3A_276 = vector.broadcast %mul3A_275 : f32 to vector<16xf32>
    %mul3A_277 = arith.mulf %mul3A_276, %add3A_248 : vector<16xf32>
    %mul3A_278 = arith.mulf %mul3A_277, %mul3A_274 : vector<16xf32>
    %mul3A_279 = arith.mulf %mul3A_278, %mul3A_274 : vector<16xf32>
    %sub3A_280 = arith.constant 1.500000e+00 : f32
    %sub3A_281 = vector.broadcast %sub3A_280 : f32 to vector<16xf32>
    %sub3A_282 = arith.subf %sub3A_281, %mul3A_279 : vector<16xf32>
    %mul3A_283 = arith.mulf %mul3A_274, %sub3A_282 : vector<16xf32>
    %mul3A_284 = arith.constant 1.562500e-02 : f32
    %mul3A_285 = vector.broadcast %mul3A_284 : f32 to vector<16xf32>
    %mul3A_286 = arith.mulf %parallel_loop3A_7#13, %mul3A_285 : vector<16xf32>
    %mul3A_287 = arith.mulf %mul3A_28, %mul3A_28 : vector<16xf32>
    %sub3A_288 = arith.subf %mul3A_286, %mul3A_287 : vector<16xf32>
    %add3A_289 = arith.constant 9.99999974E-6 : f32
    %add3A_290 = vector.broadcast %add3A_289 : f32 to vector<16xf32>
    %add3A_291 = arith.addf %sub3A_288, %add3A_290 : vector<16xf32>
    %bitcast3A_292 = vector.bitcast %add3A_291 : vector<16xf32> to vector<16xi32>
    %shift_right_arithmetic3A_293 = arith.constant 1 : i32
    %shift_right_arithmetic3A_294 = vector.broadcast %shift_right_arithmetic3A_293 : i32 to vector<16xi32>
    %shift_right_arithmetic3A_295 = arith.shrsi %bitcast3A_292, %shift_right_arithmetic3A_294 : vector<16xi32>
    %sub3A_296 = arith.constant 1597463007 : i32
    %sub3A_297 = vector.broadcast %sub3A_296 : i32 to vector<16xi32>
    %sub3A_298 = arith.subi %sub3A_297, %shift_right_arithmetic3A_295 : vector<16xi32>
    %bitcast3A_299 = vector.bitcast %sub3A_298 : vector<16xi32> to vector<16xf32>
    %mul3A_300 = arith.constant 5.000000e-01 : f32
    %mul3A_301 = vector.broadcast %mul3A_300 : f32 to vector<16xf32>
    %mul3A_302 = arith.mulf %mul3A_301, %add3A_291 : vector<16xf32>
    %mul3A_303 = arith.mulf %mul3A_302, %bitcast3A_299 : vector<16xf32>
    %mul3A_304 = arith.mulf %mul3A_303, %bitcast3A_299 : vector<16xf32>
    %sub3A_305 = arith.constant 1.500000e+00 : f32
    %sub3A_306 = vector.broadcast %sub3A_305 : f32 to vector<16xf32>
    %sub3A_307 = arith.subf %sub3A_306, %mul3A_304 : vector<16xf32>
    %mul3A_308 = arith.mulf %bitcast3A_299, %sub3A_307 : vector<16xf32>
    %mul3A_309 = arith.constant 5.000000e-01 : f32
    %mul3A_310 = vector.broadcast %mul3A_309 : f32 to vector<16xf32>
    %mul3A_311 = arith.mulf %mul3A_310, %add3A_291 : vector<16xf32>
    %mul3A_312 = arith.mulf %mul3A_311, %mul3A_308 : vector<16xf32>
    %mul3A_313 = arith.mulf %mul3A_312, %mul3A_308 : vector<16xf32>
    %sub3A_314 = arith.constant 1.500000e+00 : f32
    %sub3A_315 = vector.broadcast %sub3A_314 : f32 to vector<16xf32>
    %sub3A_316 = arith.subf %sub3A_315, %mul3A_313 : vector<16xf32>
    %mul3A_317 = arith.mulf %mul3A_308, %sub3A_316 : vector<16xf32>
    %mul3A_318 = arith.constant 5.000000e-01 : f32
    %mul3A_319 = vector.broadcast %mul3A_318 : f32 to vector<16xf32>
    %mul3A_320 = arith.mulf %mul3A_319, %add3A_291 : vector<16xf32>
    %mul3A_321 = arith.mulf %mul3A_320, %mul3A_317 : vector<16xf32>
    %mul3A_322 = arith.mulf %mul3A_321, %mul3A_317 : vector<16xf32>
    %sub3A_323 = arith.constant 1.500000e+00 : f32
    %sub3A_324 = vector.broadcast %sub3A_323 : f32 to vector<16xf32>
    %sub3A_325 = arith.subf %sub3A_324, %mul3A_322 : vector<16xf32>
    %mul3A_326 = arith.mulf %mul3A_317, %sub3A_325 : vector<16xf32>
    %iota3A = tpu.iota {dimensions = array<i32: 0>} : vector<16xi32>
    %ge3A = arith.constant 12 : i32
    %ge3A_327 = vector.broadcast %ge3A : i32 to vector<16xi32>
    %ge3A_328 = arith.cmpi sge, %iota3A, %ge3A_327 : vector<16xi32>
    tpu.wait_dma2 semaphore(%arg13 : memref<!tpu.dma_semaphore, #tpu.memory_space<semaphore_mem>>) src(%arg4 : memref<64xf32, #tpu.memory_space<hbm>>) dst(%arg8 : memref<64xf32, #tpu.memory_space<vmem>>)
    tpu.wait_dma2 semaphore(%arg13 : memref<!tpu.dma_semaphore, #tpu.memory_space<semaphore_mem>>) src(%arg5 : memref<64xf32, #tpu.memory_space<hbm>>) dst(%arg9 : memref<64xf32, #tpu.memory_space<vmem>>)
    %parallel_loop3A_329 = arith.constant 0 : i32
    %parallel_loop3A_330 = arith.constant 64 : i32
    %parallel_loop3A_331 = arith.constant 1 : i32
    scf.for %parallel_loop3A_433 = %parallel_loop3A_329 to %parallel_loop3A_330 step %parallel_loop3A_331  : i32 {
      %parallel_loop3A_434 = vector.broadcast %parallel_loop3A_433 : i32 to vector<16xi32>
      %parallel_loop3A_435 = tpu.vector_load_idx %arg8[%parallel_loop3A_434] : memref<64xf32, #tpu.memory_space<vmem>>[vector<16xi32>], vector<16xf32>,
      %parallel_loop3A_436 = tpu.vector_load_idx %arg9[%parallel_loop3A_434] : memref<64xf32, #tpu.memory_space<vmem>>[vector<16xi32>], vector<16xf32>,
      %parallel_loop3A_437 = arith.index_cast %parallel_loop3A_433 : i32 to index
      %parallel_loop3A_438 = arith.constant 0 : index
      %parallel_loop3A_439 = tpu.vector_load %arg7[%parallel_loop3A_437, %parallel_loop3A_438] {strides = array<i32>} : memref<64x100xf32, #tpu.memory_space<vmem>>, vector<16xf32>,
      %parallel_loop3A_440 = arith.subf %parallel_loop3A_439, %mul3A_10 : vector<16xf32>
      %parallel_loop3A_441 = arith.mulf %parallel_loop3A_440, %mul3A_68 : vector<16xf32>
      %parallel_loop3A_442 = arith.mulf %parallel_loop3A_441, %parallel_loop3A_435 : vector<16xf32>
      %parallel_loop3A_443 = arith.addf %parallel_loop3A_442, %parallel_loop3A_436 : vector<16xf32>
      %parallel_loop3A_444 = arith.index_cast %parallel_loop3A_433 : i32 to index
      %parallel_loop3A_445 = arith.constant 0 : index
      %parallel_loop3A_446 = tpu.vector_load %arg7[%parallel_loop3A_444, %parallel_loop3A_445] {strides = array<i32>} : memref<64x100xf32, #tpu.memory_space<vmem>>, vector<16xf32>,
      tpu.vector_store %arg7[%parallel_loop3A_444, %parallel_loop3A_445], %parallel_loop3A_443 {strides = array<i32>} : memref<64x100xf32, #tpu.memory_space<vmem>>, vector<16xf32>,
      %parallel_loop3A_447 = arith.index_cast %parallel_loop3A_433 : i32 to index
      %parallel_loop3A_448 = arith.constant 16 : index
      %parallel_loop3A_449 = tpu.vector_load %arg7[%parallel_loop3A_447, %parallel_loop3A_448] {strides = array<i32>} : memref<64x100xf32, #tpu.memory_space<vmem>>, vector<16xf32>,
      %parallel_loop3A_450 = arith.subf %parallel_loop3A_449, %mul3A_13 : vector<16xf32>
      %parallel_loop3A_451 = arith.mulf %parallel_loop3A_450, %mul3A_111 : vector<16xf32>
      %parallel_loop3A_452 = arith.mulf %parallel_loop3A_451, %parallel_loop3A_435 : vector<16xf32>
      %parallel_loop3A_453 = arith.addf %parallel_loop3A_452, %parallel_loop3A_436 : vector<16xf32>
      %parallel_loop3A_454 = arith.index_cast %parallel_loop3A_433 : i32 to index
      %parallel_loop3A_455 = arith.constant 16 : index
      %parallel_loop3A_456 = tpu.vector_load %arg7[%parallel_loop3A_454, %parallel_loop3A_455] {strides = array<i32>} : memref<64x100xf32, #tpu.memory_space<vmem>>, vector<16xf32>,
      tpu.vector_store %arg7[%parallel_loop3A_454, %parallel_loop3A_455], %parallel_loop3A_453 {strides = array<i32>} : memref<64x100xf32, #tpu.memory_space<vmem>>, vector<16xf32>,
      %parallel_loop3A_457 = arith.index_cast %parallel_loop3A_433 : i32 to index
      %parallel_loop3A_458 = arith.constant 32 : index
      %parallel_loop3A_459 = tpu.vector_load %arg7[%parallel_loop3A_457, %parallel_loop3A_458] {strides = array<i32>} : memref<64x100xf32, #tpu.memory_space<vmem>>, vector<16xf32>,
      %parallel_loop3A_460 = arith.subf %parallel_loop3A_459, %mul3A_16 : vector<16xf32>
      %parallel_loop3A_461 = arith.mulf %parallel_loop3A_460, %mul3A_154 : vector<16xf32>
      %parallel_loop3A_462 = arith.mulf %parallel_loop3A_461, %parallel_loop3A_435 : vector<16xf32>
      %parallel_loop3A_463 = arith.addf %parallel_loop3A_462, %parallel_loop3A_436 : vector<16xf32>
      %parallel_loop3A_464 = arith.index_cast %parallel_loop3A_433 : i32 to index
      %parallel_loop3A_465 = arith.constant 32 : index
      %parallel_loop3A_466 = tpu.vector_load %arg7[%parallel_loop3A_464, %parallel_loop3A_465] {strides = array<i32>} : memref<64x100xf32, #tpu.memory_space<vmem>>, vector<16xf32>,
      tpu.vector_store %arg7[%parallel_loop3A_464, %parallel_loop3A_465], %parallel_loop3A_463 {strides = array<i32>} : memref<64x100xf32, #tpu.memory_space<vmem>>, vector<16xf32>,
      %parallel_loop3A_467 = arith.index_cast %parallel_loop3A_433 : i32 to index
      %parallel_loop3A_468 = arith.constant 48 : index
      %parallel_loop3A_469 = tpu.vector_load %arg7[%parallel_loop3A_467, %parallel_loop3A_468] {strides = array<i32>} : memref<64x100xf32, #tpu.memory_space<vmem>>, vector<16xf32>,
      %parallel_loop3A_470 = arith.subf %parallel_loop3A_469, %mul3A_19 : vector<16xf32>
      %parallel_loop3A_471 = arith.mulf %parallel_loop3A_470, %mul3A_197 : vector<16xf32>
      %parallel_loop3A_472 = arith.mulf %parallel_loop3A_471, %parallel_loop3A_435 : vector<16xf32>
      %parallel_loop3A_473 = arith.addf %parallel_loop3A_472, %parallel_loop3A_436 : vector<16xf32>
      %parallel_loop3A_474 = arith.index_cast %parallel_loop3A_433 : i32 to index
      %parallel_loop3A_475 = arith.constant 48 : index
      %parallel_loop3A_476 = tpu.vector_load %arg7[%parallel_loop3A_474, %parallel_loop3A_475] {strides = array<i32>} : memref<64x100xf32, #tpu.memory_space<vmem>>, vector<16xf32>,
      tpu.vector_store %arg7[%parallel_loop3A_474, %parallel_loop3A_475], %parallel_loop3A_473 {strides = array<i32>} : memref<64x100xf32, #tpu.memory_space<vmem>>, vector<16xf32>,
      %parallel_loop3A_477 = arith.index_cast %parallel_loop3A_433 : i32 to index
      %parallel_loop3A_478 = arith.constant 64 : index
      %parallel_loop3A_479 = tpu.vector_load %arg7[%parallel_loop3A_477, %parallel_loop3A_478] {strides = array<i32>} : memref<64x100xf32, #tpu.memory_space<vmem>>, vector<16xf32>,
      %parallel_loop3A_480 = arith.subf %parallel_loop3A_479, %mul3A_22 : vector<16xf32>
      %parallel_loop3A_481 = arith.mulf %parallel_loop3A_480, %mul3A_240 : vector<16xf32>
      %parallel_loop3A_482 = arith.mulf %parallel_loop3A_481, %parallel_loop3A_435 : vector<16xf32>
      %parallel_loop3A_483 = arith.addf %parallel_loop3A_482, %parallel_loop3A_436 : vector<16xf32>
      %parallel_loop3A_484 = arith.index_cast %parallel_loop3A_433 : i32 to index
      %parallel_loop3A_485 = arith.constant 64 : index
      %parallel_loop3A_486 = tpu.vector_load %arg7[%parallel_loop3A_484, %parallel_loop3A_485] {strides = array<i32>} : memref<64x100xf32, #tpu.memory_space<vmem>>, vector<16xf32>,
      tpu.vector_store %arg7[%parallel_loop3A_484, %parallel_loop3A_485], %parallel_loop3A_483 {strides = array<i32>} : memref<64x100xf32, #tpu.memory_space<vmem>>, vector<16xf32>,
      %parallel_loop3A_487 = arith.index_cast %parallel_loop3A_433 : i32 to index
      %parallel_loop3A_488 = arith.constant 80 : index
      %parallel_loop3A_489 = tpu.vector_load %arg7[%parallel_loop3A_487, %parallel_loop3A_488] {strides = array<i32>} : memref<64x100xf32, #tpu.memory_space<vmem>>, vector<16xf32>,
      %parallel_loop3A_490 = arith.subf %parallel_loop3A_489, %mul3A_25 : vector<16xf32>
      %parallel_loop3A_491 = arith.mulf %parallel_loop3A_490, %mul3A_283 : vector<16xf32>
      %parallel_loop3A_492 = arith.mulf %parallel_loop3A_491, %parallel_loop3A_435 : vector<16xf32>
      %parallel_loop3A_493 = arith.addf %parallel_loop3A_492, %parallel_loop3A_436 : vector<16xf32>
      %parallel_loop3A_494 = arith.index_cast %parallel_loop3A_433 : i32 to index
      %parallel_loop3A_495 = arith.constant 80 : index
      %parallel_loop3A_496 = tpu.vector_load %arg7[%parallel_loop3A_494, %parallel_loop3A_495] {strides = array<i32>} : memref<64x100xf32, #tpu.memory_space<vmem>>, vector<16xf32>,
      tpu.vector_store %arg7[%parallel_loop3A_494, %parallel_loop3A_495], %parallel_loop3A_493 {strides = array<i32>} : memref<64x100xf32, #tpu.memory_space<vmem>>, vector<16xf32>,
      %parallel_loop3A_497 = arith.index_cast %parallel_loop3A_433 : i32 to index
      %parallel_loop3A_498 = arith.constant 84 : index
      %parallel_loop3A_499 = tpu.vector_load %arg7[%parallel_loop3A_497, %parallel_loop3A_498] {strides = array<i32>} : memref<64x100xf32, #tpu.memory_space<vmem>>, vector<16xf32>,
      %parallel_loop3A_500 = arith.subf %parallel_loop3A_499, %mul3A_28 : vector<16xf32>
      %parallel_loop3A_501 = arith.mulf %parallel_loop3A_500, %mul3A_326 : vector<16xf32>
      %parallel_loop3A_502 = arith.mulf %parallel_loop3A_501, %parallel_loop3A_435 : vector<16xf32>
      %parallel_loop3A_503 = arith.addf %parallel_loop3A_502, %parallel_loop3A_436 : vector<16xf32>
      %parallel_loop3A_504 = arith.constant 84 : i32
      %parallel_loop3A_505 = vector.broadcast %parallel_loop3A_504 : i32 to vector<16xi32>
      %parallel_loop3A_506 = arith.addi %iota3A, %parallel_loop3A_505 : vector<16xi32>
      tpu.vector_store_idx %arg7[%parallel_loop3A_434, %parallel_loop3A_506], %parallel_loop3A_503 masked %ge3A_328 : memref<64x100xf32, #tpu.memory_space<vmem>>[vector<16xi32>, vector<16xi32>], vector<16xf32>, vector<16xi1>
    } {sc.loop_unroll_factor = 1 : i64, sc.parallel_access}
    %dma_wait3A = tpu.memref_slice %arg2[%mul3A_2] : memref<16384xi32, #tpu.memory_space<hbm>> -> memref<512xi32, #tpu.memory_space<hbm>>
    %dma_wait3A_332 = tpu.memref_slice %arg2[%mul3A_2] : memref<16384xi32, #tpu.memory_space<hbm>> -> memref<512xi32, #tpu.memory_space<hbm>>
    tpu.wait_dma2 semaphore(%arg12 : memref<!tpu.dma_semaphore, #tpu.memory_space<semaphore_mem>>) src(%dma_wait3A_332 : memref<512xi32, #tpu.memory_space<hbm>>) dst(%arg10 : memref<512xi32, #tpu.memory_space<vmem>>)
    %parallel_loop3A_333 = arith.constant 0 : i32
    %parallel_loop3A_334 = arith.constant 8 : i32
    %parallel_loop3A_335 = arith.constant 1 : i32
    scf.for %parallel_loop3A_433 = %parallel_loop3A_333 to %parallel_loop3A_334 step %parallel_loop3A_335  : i32 {
      %parallel_loop3A_434 = arith.constant 16 : i32
      %parallel_loop3A_435 = arith.muli %parallel_loop3A_433, %parallel_loop3A_434 : i32
      %parallel_loop3A_436 = arith.index_cast %parallel_loop3A_435 : i32 to index
      %parallel_loop3A_437 = tpu.vector_load %arg10[%parallel_loop3A_436] {strides = array<i32>} : memref<512xi32, #tpu.memory_space<vmem>>, vector<16xi32>,
      %parallel_loop3A_438 = arith.constant 0 : i32
      %parallel_loop3A_439 = arith.constant 64 : i32
      %parallel_loop3A_440 = arith.constant 1 : i32
      scf.for %parallel_loop3A_441 = %parallel_loop3A_438 to %parallel_loop3A_439 step %parallel_loop3A_440  : i32 {
        %parallel_loop3A_442 = arith.constant 0 : i32
        %parallel_loop3A_443 = tpu.memref_slice %arg7[%parallel_loop3A_441, %parallel_loop3A_442] : memref<64x100xf32, #tpu.memory_space<vmem>> -> memref<1x100xf32, #tpu.memory_space<vmem>>
        %parallel_loop3A_444 = tpu.memref_squeeze %parallel_loop3A_443 : memref<1x100xf32, #tpu.memory_space<vmem>> -> memref<100xf32, #tpu.memory_space<vmem>>
        %parallel_loop3A_445 = tpu.vector_load_idx %parallel_loop3A_444[%parallel_loop3A_437] : memref<100xf32, #tpu.memory_space<vmem>>[vector<16xi32>], vector<16xf32>,
        %parallel_loop3A_446 = arith.index_cast %parallel_loop3A_441 : i32 to index
        %parallel_loop3A_447 = arith.index_cast %parallel_loop3A_435 : i32 to index
        %parallel_loop3A_448 = tpu.vector_load %arg11[%parallel_loop3A_446, %parallel_loop3A_447] {strides = array<i32>} : memref<64x512xf32, #tpu.memory_space<vmem>>, vector<16xf32>,
        tpu.vector_store %arg11[%parallel_loop3A_446, %parallel_loop3A_447], %parallel_loop3A_445 {strides = array<i32>} : memref<64x512xf32, #tpu.memory_space<vmem>>, vector<16xf32>,
      } {sc.loop_unroll_factor = 16 : i64, sc.parallel_access}
    } {sc.loop_unroll_factor = 1 : i64, sc.parallel_access}
    %add3A_336 = arith.constant 0 : i32
    %add3A_337 = arith.addi %mul3A_2, %add3A_336 : i32
    %dma_start3A_338 = arith.constant 0 : i32
    %dma_start3A_339 = arith.constant 0 : i32
    %dma_start3A_340 = tpu.memref_slice %arg11[%dma_start3A_338, %dma_start3A_339] : memref<64x512xf32, #tpu.memory_space<vmem>> -> memref<64x128xf32, #tpu.memory_space<vmem>>
    %dma_start3A_341 = arith.constant 0 : i32
    %dma_start3A_342 = tpu.memref_slice %arg6[%dma_start3A_341, %add3A_337] : memref<64x16384xf32, #tpu.memory_space<hbm>> -> memref<64x128xf32, #tpu.memory_space<hbm>>
    %dma_start3A_343 = arith.constant 0 : i32
    %dma_start3A_344 = tpu.memref_slice %arg6[%dma_start3A_343, %add3A_337] : memref<64x16384xf32, #tpu.memory_space<hbm>> -> memref<64x128xf32, #tpu.memory_space<hbm>>
    %dma_start3A_345 = arith.constant 0 : i32
    %dma_start3A_346 = arith.constant 0 : i32
    %dma_start3A_347 = tpu.memref_slice %arg11[%dma_start3A_345, %dma_start3A_346] : memref<64x512xf32, #tpu.memory_space<vmem>> -> memref<64x128xf32, #tpu.memory_space<vmem>>
    tpu.enqueue_dma source(%dma_start3A_347 : memref<64x128xf32, #tpu.memory_space<vmem>>) target(%dma_start3A_344 : memref<64x128xf32, #tpu.memory_space<hbm>>) target_semaphore(%arg14 : memref<!tpu.dma_semaphore, #tpu.memory_space<semaphore_mem>>)
    %parallel_loop3A_348 = arith.constant 8 : i32
    %parallel_loop3A_349 = arith.constant 16 : i32
    %parallel_loop3A_350 = arith.constant 1 : i32
    scf.for %parallel_loop3A_433 = %parallel_loop3A_348 to %parallel_loop3A_349 step %parallel_loop3A_350  : i32 {
      %parallel_loop3A_434 = arith.constant 16 : i32
      %parallel_loop3A_435 = arith.muli %parallel_loop3A_433, %parallel_loop3A_434 : i32
      %parallel_loop3A_436 = arith.index_cast %parallel_loop3A_435 : i32 to index
      %parallel_loop3A_437 = tpu.vector_load %arg10[%parallel_loop3A_436] {strides = array<i32>} : memref<512xi32, #tpu.memory_space<vmem>>, vector<16xi32>,
      %parallel_loop3A_438 = arith.constant 0 : i32
      %parallel_loop3A_439 = arith.constant 64 : i32
      %parallel_loop3A_440 = arith.constant 1 : i32
      scf.for %parallel_loop3A_441 = %parallel_loop3A_438 to %parallel_loop3A_439 step %parallel_loop3A_440  : i32 {
        %parallel_loop3A_442 = arith.constant 0 : i32
        %parallel_loop3A_443 = tpu.memref_slice %arg7[%parallel_loop3A_441, %parallel_loop3A_442] : memref<64x100xf32, #tpu.memory_space<vmem>> -> memref<1x100xf32, #tpu.memory_space<vmem>>
        %parallel_loop3A_444 = tpu.memref_squeeze %parallel_loop3A_443 : memref<1x100xf32, #tpu.memory_space<vmem>> -> memref<100xf32, #tpu.memory_space<vmem>>
        %parallel_loop3A_445 = tpu.vector_load_idx %parallel_loop3A_444[%parallel_loop3A_437] : memref<100xf32, #tpu.memory_space<vmem>>[vector<16xi32>], vector<16xf32>,
        %parallel_loop3A_446 = arith.index_cast %parallel_loop3A_441 : i32 to index
        %parallel_loop3A_447 = arith.index_cast %parallel_loop3A_435 : i32 to index
        %parallel_loop3A_448 = tpu.vector_load %arg11[%parallel_loop3A_446, %parallel_loop3A_447] {strides = array<i32>} : memref<64x512xf32, #tpu.memory_space<vmem>>, vector<16xf32>,
        tpu.vector_store %arg11[%parallel_loop3A_446, %parallel_loop3A_447], %parallel_loop3A_445 {strides = array<i32>} : memref<64x512xf32, #tpu.memory_space<vmem>>, vector<16xf32>,
      } {sc.loop_unroll_factor = 16 : i64, sc.parallel_access}
    } {sc.loop_unroll_factor = 1 : i64, sc.parallel_access}
    %add3A_351 = arith.constant 128 : i32
    %add3A_352 = arith.addi %mul3A_2, %add3A_351 : i32
    %dma_start3A_353 = arith.constant 0 : i32
    %dma_start3A_354 = arith.constant 128 : i32
    %dma_start3A_355 = tpu.memref_slice %arg11[%dma_start3A_353, %dma_start3A_354] : memref<64x512xf32, #tpu.memory_space<vmem>> -> memref<64x128xf32, #tpu.memory_space<vmem>>
    %dma_start3A_356 = arith.constant 0 : i32
    %dma_start3A_357 = tpu.memref_slice %arg6[%dma_start3A_356, %add3A_352] : memref<64x16384xf32, #tpu.memory_space<hbm>> -> memref<64x128xf32, #tpu.memory_space<hbm>>
    %dma_start3A_358 = arith.constant 0 : i32
    %dma_start3A_359 = tpu.memref_slice %arg6[%dma_start3A_358, %add3A_352] : memref<64x16384xf32, #tpu.memory_space<hbm>> -> memref<64x128xf32, #tpu.memory_space<hbm>>
    %dma_start3A_360 = arith.constant 0 : i32
    %dma_start3A_361 = arith.constant 128 : i32
    %dma_start3A_362 = tpu.memref_slice %arg11[%dma_start3A_360, %dma_start3A_361] : memref<64x512xf32, #tpu.memory_space<vmem>> -> memref<64x128xf32, #tpu.memory_space<vmem>>
    tpu.enqueue_dma source(%dma_start3A_362 : memref<64x128xf32, #tpu.memory_space<vmem>>) target(%dma_start3A_359 : memref<64x128xf32, #tpu.memory_space<hbm>>) target_semaphore(%arg14 : memref<!tpu.dma_semaphore, #tpu.memory_space<semaphore_mem>>)
    %parallel_loop3A_363 = arith.constant 16 : i32
    %parallel_loop3A_364 = arith.constant 24 : i32
    %parallel_loop3A_365 = arith.constant 1 : i32
    scf.for %parallel_loop3A_433 = %parallel_loop3A_363 to %parallel_loop3A_364 step %parallel_loop3A_365  : i32 {
      %parallel_loop3A_434 = arith.constant 16 : i32
      %parallel_loop3A_435 = arith.muli %parallel_loop3A_433, %parallel_loop3A_434 : i32
      %parallel_loop3A_436 = arith.index_cast %parallel_loop3A_435 : i32 to index
      %parallel_loop3A_437 = tpu.vector_load %arg10[%parallel_loop3A_436] {strides = array<i32>} : memref<512xi32, #tpu.memory_space<vmem>>, vector<16xi32>,
      %parallel_loop3A_438 = arith.constant 0 : i32
      %parallel_loop3A_439 = arith.constant 64 : i32
      %parallel_loop3A_440 = arith.constant 1 : i32
      scf.for %parallel_loop3A_441 = %parallel_loop3A_438 to %parallel_loop3A_439 step %parallel_loop3A_440  : i32 {
        %parallel_loop3A_442 = arith.constant 0 : i32
        %parallel_loop3A_443 = tpu.memref_slice %arg7[%parallel_loop3A_441, %parallel_loop3A_442] : memref<64x100xf32, #tpu.memory_space<vmem>> -> memref<1x100xf32, #tpu.memory_space<vmem>>
        %parallel_loop3A_444 = tpu.memref_squeeze %parallel_loop3A_443 : memref<1x100xf32, #tpu.memory_space<vmem>> -> memref<100xf32, #tpu.memory_space<vmem>>
        %parallel_loop3A_445 = tpu.vector_load_idx %parallel_loop3A_444[%parallel_loop3A_437] : memref<100xf32, #tpu.memory_space<vmem>>[vector<16xi32>], vector<16xf32>,
        %parallel_loop3A_446 = arith.index_cast %parallel_loop3A_441 : i32 to index
        %parallel_loop3A_447 = arith.index_cast %parallel_loop3A_435 : i32 to index
        %parallel_loop3A_448 = tpu.vector_load %arg11[%parallel_loop3A_446, %parallel_loop3A_447] {strides = array<i32>} : memref<64x512xf32, #tpu.memory_space<vmem>>, vector<16xf32>,
        tpu.vector_store %arg11[%parallel_loop3A_446, %parallel_loop3A_447], %parallel_loop3A_445 {strides = array<i32>} : memref<64x512xf32, #tpu.memory_space<vmem>>, vector<16xf32>,
      } {sc.loop_unroll_factor = 16 : i64, sc.parallel_access}
    } {sc.loop_unroll_factor = 1 : i64, sc.parallel_access}
    %add3A_366 = arith.constant 256 : i32
    %add3A_367 = arith.addi %mul3A_2, %add3A_366 : i32
    %dma_start3A_368 = arith.constant 0 : i32
    %dma_start3A_369 = arith.constant 256 : i32
    %dma_start3A_370 = tpu.memref_slice %arg11[%dma_start3A_368, %dma_start3A_369] : memref<64x512xf32, #tpu.memory_space<vmem>> -> memref<64x128xf32, #tpu.memory_space<vmem>>
    %dma_start3A_371 = arith.constant 0 : i32
    %dma_start3A_372 = tpu.memref_slice %arg6[%dma_start3A_371, %add3A_367] : memref<64x16384xf32, #tpu.memory_space<hbm>> -> memref<64x128xf32, #tpu.memory_space<hbm>>
    %dma_start3A_373 = arith.constant 0 : i32
    %dma_start3A_374 = tpu.memref_slice %arg6[%dma_start3A_373, %add3A_367] : memref<64x16384xf32, #tpu.memory_space<hbm>> -> memref<64x128xf32, #tpu.memory_space<hbm>>
    %dma_start3A_375 = arith.constant 0 : i32
    %dma_start3A_376 = arith.constant 256 : i32
    %dma_start3A_377 = tpu.memref_slice %arg11[%dma_start3A_375, %dma_start3A_376] : memref<64x512xf32, #tpu.memory_space<vmem>> -> memref<64x128xf32, #tpu.memory_space<vmem>>
    tpu.enqueue_dma source(%dma_start3A_377 : memref<64x128xf32, #tpu.memory_space<vmem>>) target(%dma_start3A_374 : memref<64x128xf32, #tpu.memory_space<hbm>>) target_semaphore(%arg14 : memref<!tpu.dma_semaphore, #tpu.memory_space<semaphore_mem>>)
    %parallel_loop3A_378 = arith.constant 24 : i32
    %parallel_loop3A_379 = arith.constant 32 : i32
    %parallel_loop3A_380 = arith.constant 1 : i32
    scf.for %parallel_loop3A_433 = %parallel_loop3A_378 to %parallel_loop3A_379 step %parallel_loop3A_380  : i32 {
      %parallel_loop3A_434 = arith.constant 16 : i32
      %parallel_loop3A_435 = arith.muli %parallel_loop3A_433, %parallel_loop3A_434 : i32
      %parallel_loop3A_436 = arith.index_cast %parallel_loop3A_435 : i32 to index
      %parallel_loop3A_437 = tpu.vector_load %arg10[%parallel_loop3A_436] {strides = array<i32>} : memref<512xi32, #tpu.memory_space<vmem>>, vector<16xi32>,
      %parallel_loop3A_438 = arith.constant 0 : i32
      %parallel_loop3A_439 = arith.constant 64 : i32
      %parallel_loop3A_440 = arith.constant 1 : i32
      scf.for %parallel_loop3A_441 = %parallel_loop3A_438 to %parallel_loop3A_439 step %parallel_loop3A_440  : i32 {
        %parallel_loop3A_442 = arith.constant 0 : i32
        %parallel_loop3A_443 = tpu.memref_slice %arg7[%parallel_loop3A_441, %parallel_loop3A_442] : memref<64x100xf32, #tpu.memory_space<vmem>> -> memref<1x100xf32, #tpu.memory_space<vmem>>
        %parallel_loop3A_444 = tpu.memref_squeeze %parallel_loop3A_443 : memref<1x100xf32, #tpu.memory_space<vmem>> -> memref<100xf32, #tpu.memory_space<vmem>>
        %parallel_loop3A_445 = tpu.vector_load_idx %parallel_loop3A_444[%parallel_loop3A_437] : memref<100xf32, #tpu.memory_space<vmem>>[vector<16xi32>], vector<16xf32>,
        %parallel_loop3A_446 = arith.index_cast %parallel_loop3A_441 : i32 to index
        %parallel_loop3A_447 = arith.index_cast %parallel_loop3A_435 : i32 to index
        %parallel_loop3A_448 = tpu.vector_load %arg11[%parallel_loop3A_446, %parallel_loop3A_447] {strides = array<i32>} : memref<64x512xf32, #tpu.memory_space<vmem>>, vector<16xf32>,
        tpu.vector_store %arg11[%parallel_loop3A_446, %parallel_loop3A_447], %parallel_loop3A_445 {strides = array<i32>} : memref<64x512xf32, #tpu.memory_space<vmem>>, vector<16xf32>,
      } {sc.loop_unroll_factor = 16 : i64, sc.parallel_access}
    } {sc.loop_unroll_factor = 1 : i64, sc.parallel_access}
    %add3A_381 = arith.constant 384 : i32
    %add3A_382 = arith.addi %mul3A_2, %add3A_381 : i32
    %dma_start3A_383 = arith.constant 0 : i32
    %dma_start3A_384 = arith.constant 384 : i32
    %dma_start3A_385 = tpu.memref_slice %arg11[%dma_start3A_383, %dma_start3A_384] : memref<64x512xf32, #tpu.memory_space<vmem>> -> memref<64x128xf32, #tpu.memory_space<vmem>>
    %dma_start3A_386 = arith.constant 0 : i32
    %dma_start3A_387 = tpu.memref_slice %arg6[%dma_start3A_386, %add3A_382] : memref<64x16384xf32, #tpu.memory_space<hbm>> -> memref<64x128xf32, #tpu.memory_space<hbm>>
    %dma_start3A_388 = arith.constant 0 : i32
    %dma_start3A_389 = tpu.memref_slice %arg6[%dma_start3A_388, %add3A_382] : memref<64x16384xf32, #tpu.memory_space<hbm>> -> memref<64x128xf32, #tpu.memory_space<hbm>>
    %dma_start3A_390 = arith.constant 0 : i32
    %dma_start3A_391 = arith.constant 384 : i32
    %dma_start3A_392 = tpu.memref_slice %arg11[%dma_start3A_390, %dma_start3A_391] : memref<64x512xf32, #tpu.memory_space<vmem>> -> memref<64x128xf32, #tpu.memory_space<vmem>>
    tpu.enqueue_dma source(%dma_start3A_392 : memref<64x128xf32, #tpu.memory_space<vmem>>) target(%dma_start3A_389 : memref<64x128xf32, #tpu.memory_space<hbm>>) target_semaphore(%arg14 : memref<!tpu.dma_semaphore, #tpu.memory_space<semaphore_mem>>)
    %dma_wait3A_393 = arith.constant 0 : i32
    %dma_wait3A_394 = arith.constant 0 : i32
    %dma_wait3A_395 = tpu.memref_slice %arg11[%dma_wait3A_393, %dma_wait3A_394] : memref<64x512xf32, #tpu.memory_space<vmem>> -> memref<64x128xf32, #tpu.memory_space<vmem>>
    %dma_wait3A_396 = arith.constant 0 : i32
    %dma_wait3A_397 = tpu.memref_slice %arg6[%dma_wait3A_396, %add3A_337] : memref<64x16384xf32, #tpu.memory_space<hbm>> -> memref<64x128xf32, #tpu.memory_space<hbm>>
    %dma_wait3A_398 = arith.constant 0 : i32
    %dma_wait3A_399 = tpu.memref_slice %arg6[%dma_wait3A_398, %add3A_337] : memref<64x16384xf32, #tpu.memory_space<hbm>> -> memref<64x128xf32, #tpu.memory_space<hbm>>
    %dma_wait3A_400 = arith.constant 0 : i32
    %dma_wait3A_401 = arith.constant 0 : i32
    %dma_wait3A_402 = tpu.memref_slice %arg11[%dma_wait3A_400, %dma_wait3A_401] : memref<64x512xf32, #tpu.memory_space<vmem>> -> memref<64x128xf32, #tpu.memory_space<vmem>>
    tpu.wait_dma2 semaphore(%arg14 : memref<!tpu.dma_semaphore, #tpu.memory_space<semaphore_mem>>) src(%dma_wait3A_402 : memref<64x128xf32, #tpu.memory_space<vmem>>) dst(%dma_wait3A_399 : memref<64x128xf32, #tpu.memory_space<hbm>>)
    %dma_wait3A_403 = arith.constant 0 : i32
    %dma_wait3A_404 = arith.constant 128 : i32
    %dma_wait3A_405 = tpu.memref_slice %arg11[%dma_wait3A_403, %dma_wait3A_404] : memref<64x512xf32, #tpu.memory_space<vmem>> -> memref<64x128xf32, #tpu.memory_space<vmem>>
    %dma_wait3A_406 = arith.constant 0 : i32
    %dma_wait3A_407 = tpu.memref_slice %arg6[%dma_wait3A_406, %add3A_352] : memref<64x16384xf32, #tpu.memory_space<hbm>> -> memref<64x128xf32, #tpu.memory_space<hbm>>
    %dma_wait3A_408 = arith.constant 0 : i32
    %dma_wait3A_409 = tpu.memref_slice %arg6[%dma_wait3A_408, %add3A_352] : memref<64x16384xf32, #tpu.memory_space<hbm>> -> memref<64x128xf32, #tpu.memory_space<hbm>>
    %dma_wait3A_410 = arith.constant 0 : i32
    %dma_wait3A_411 = arith.constant 128 : i32
    %dma_wait3A_412 = tpu.memref_slice %arg11[%dma_wait3A_410, %dma_wait3A_411] : memref<64x512xf32, #tpu.memory_space<vmem>> -> memref<64x128xf32, #tpu.memory_space<vmem>>
    tpu.wait_dma2 semaphore(%arg14 : memref<!tpu.dma_semaphore, #tpu.memory_space<semaphore_mem>>) src(%dma_wait3A_412 : memref<64x128xf32, #tpu.memory_space<vmem>>) dst(%dma_wait3A_409 : memref<64x128xf32, #tpu.memory_space<hbm>>)
    %dma_wait3A_413 = arith.constant 0 : i32
    %dma_wait3A_414 = arith.constant 256 : i32
    %dma_wait3A_415 = tpu.memref_slice %arg11[%dma_wait3A_413, %dma_wait3A_414] : memref<64x512xf32, #tpu.memory_space<vmem>> -> memref<64x128xf32, #tpu.memory_space<vmem>>
    %dma_wait3A_416 = arith.constant 0 : i32
    %dma_wait3A_417 = tpu.memref_slice %arg6[%dma_wait3A_416, %add3A_367] : memref<64x16384xf32, #tpu.memory_space<hbm>> -> memref<64x128xf32, #tpu.memory_space<hbm>>
    %dma_wait3A_418 = arith.constant 0 : i32
    %dma_wait3A_419 = tpu.memref_slice %arg6[%dma_wait3A_418, %add3A_367] : memref<64x16384xf32, #tpu.memory_space<hbm>> -> memref<64x128xf32, #tpu.memory_space<hbm>>
    %dma_wait3A_420 = arith.constant 0 : i32
    %dma_wait3A_421 = arith.constant 256 : i32
    %dma_wait3A_422 = tpu.memref_slice %arg11[%dma_wait3A_420, %dma_wait3A_421] : memref<64x512xf32, #tpu.memory_space<vmem>> -> memref<64x128xf32, #tpu.memory_space<vmem>>
    tpu.wait_dma2 semaphore(%arg14 : memref<!tpu.dma_semaphore, #tpu.memory_space<semaphore_mem>>) src(%dma_wait3A_422 : memref<64x128xf32, #tpu.memory_space<vmem>>) dst(%dma_wait3A_419 : memref<64x128xf32, #tpu.memory_space<hbm>>)
    %dma_wait3A_423 = arith.constant 0 : i32
    %dma_wait3A_424 = arith.constant 384 : i32
    %dma_wait3A_425 = tpu.memref_slice %arg11[%dma_wait3A_423, %dma_wait3A_424] : memref<64x512xf32, #tpu.memory_space<vmem>> -> memref<64x128xf32, #tpu.memory_space<vmem>>
    %dma_wait3A_426 = arith.constant 0 : i32
    %dma_wait3A_427 = tpu.memref_slice %arg6[%dma_wait3A_426, %add3A_382] : memref<64x16384xf32, #tpu.memory_space<hbm>> -> memref<64x128xf32, #tpu.memory_space<hbm>>
    %dma_wait3A_428 = arith.constant 0 : i32
    %dma_wait3A_429 = tpu.memref_slice %arg6[%dma_wait3A_428, %add3A_382] : memref<64x16384xf32, #tpu.memory_space<hbm>> -> memref<64x128xf32, #tpu.memory_space<hbm>>
    %dma_wait3A_430 = arith.constant 0 : i32
    %dma_wait3A_431 = arith.constant 384 : i32
    %dma_wait3A_432 = tpu.memref_slice %arg11[%dma_wait3A_430, %dma_wait3A_431] : memref<64x512xf32, #tpu.memory_space<vmem>> -> memref<64x128xf32, #tpu.memory_space<vmem>>
    tpu.wait_dma2 semaphore(%arg14 : memref<!tpu.dma_semaphore, #tpu.memory_space<semaphore_mem>>) src(%dma_wait3A_432 : memref<64x128xf32, #tpu.memory_space<vmem>>) dst(%dma_wait3A_429 : memref<64x128xf32, #tpu.memory_space<hbm>>)
    return
  }
}

</mosaic_0001>

<sc_bundles>
// kernel: kernel.3.cloned.1.call-start
scs
__scs_entry_jumppad:
0x0: {  	(pc) =	sbr.rel $0x88, $3  }
0x1: {  	(tag) =	ssettag $0x0;
	lr =	simm.s32 $0x1  }
0x2: {  	[smem:$0x3F9D] =	sst lr;
	_ =	strace $0xD0000000  }
0x3: {  	_ = 	snop  }
0x4: {  	_ = 	snop  }
0x5: {  	_ = 	snop  }
0x6: {  	_ = 	snop  }
0x7: {  	_ = 	snop  }
__scs_overlays_trampoline_lowered:
0x8: {  	[smem:$0x3FAC] =	sst s0  }
0x9: {  	[smem:$0x3FAD] =	sst s1  }
0xa: {  	[smem:$0x3FAE] =	sst s2  }
0xb: {  	[smem:$0x3FAF] =	sst s3  }
0xc: {  	[smem:$0x3FB0] =	sst s4  }
0xd: {  	[smem:$0x3FB1] =	sst s5  }
0xe: {  	[smem:$0x3FB2] =	sst s6  }
0xf: {  	[smem:$0x3FB3] =	sst s7  }
0x10: {  	[smem:$0x3FB4] =	sst s8  }
0x11: {  	[smem:$0x3FB5] =	sst s9;
	s0 =	simm.s32 @!p0 $0x0  }
0x12: {  	s1 =	sld [smem:$0x3F9B];
	s0 =	simm.s32 @p0 $0x1  }
0x13: {  	[smem:$0x3FB6] =	sst s0;
	s0 =	simm.s32 @!p1 $0x0  }
0x14: {  	s2 =	sld [smem:$0x3F9A];
	s0 =	simm.s32 @p1 $0x1  }
0x15: {  	[smem:$0x3FB7] =	sst s0;
	s0 =	simm.s32 @!p2 $0x0  }
0x16: {  	s3 =	sld [smem:$0x3FDB];
	s0 =	simm.s32 @p2 $0x1  }
0x17: {  	s4 =	simm.s32 $0x1BF5;
	[smem:$0x3FB9] =	sst s0  }
0x18: {  	s0 =	sld [smem:$0x3F9C];
	_ =	swait.ge [sflag:s4], $0x0  }
0x19: {  	s7 =	sld [smem:$0x3F9D]  }
0x1a: {  	s8 =	sadd.s32 $0xFFFFE003, lr  }
0x1b: {  	s9 =	sadd.s32 $0xFFFFFEF7, lr;
	s5 =	simm.s32 $0xFFFFFFFF;
	p2 =	slt.u32 s8, $0xFFFFF086  }
0x1c: {  	p1 =	slt.u32 s9, $0xF7A;
	s5 =	simm.s32 @!p2 $0x0  }
0x1d: {  	s5 =	simm.s32 @p1 $0x1;
	p0 =	seq.s32 s7, s2  }
0x1e: {  	s7 =	smul.u32 @!p0 $0xF7A, s2;
	p2 =	seq.s32 @!p0 s5, $0x0  }
0x1f: {  	s9 =	smul.u32 $0xF7A, s1;
	s8 =	simm.s32 @!p0 $0x1BF5;
	p2 =	por !p2, p0  }
0x20: {  	[sflag:s8] =	ssyncset.s32 @!p0 $0xFFFFF086;
	s6 =	sadd.s32 @!p0 s3, s7;
	s7 =	simm.s32 @!p0 $0x108  }
0x21: {  	s3 =	sadd.s32 s3, s9;
	s6 =	sadd.s32 @!p0 $0x88, s6;
	s7 =	simm.s32 @p2 $0x1082  }
0x22: {  	[simem:s7], [sflag:s8] =	dma.local @!p0 [hbm:s6], $0xF7A  }
0x23: {  	s9 =	sor.u32 $0xD0000000, s2;
	s6 =	simm.s32 $0x108;
	_ =	swait.ge @!p0 [sflag:s8], $0x0  }
0x24: {  	s3 =	sadd.s32 $0x88, s3;
	s6 =	simm.s32 @!p1 $0x1082;
	[sflag:s4] =	ssyncset.s32 $0xFFFFF086  }
0x25: {  	[simem:s6], [sflag:s4] =	dma.local [hbm:s3], $0xF7A  }
0x26: {  	[smem:$0x3F9D] =	sst s1;
	(tag) =	ssettag s2;
	_ =	strace s9  }
0x27: {  	s1 =	sld [smem:$0x3FAD]  }
0x28: {  	s2 =	sld [smem:$0x3FAE]  }
0x29: {  	s4 =	sld [smem:$0x3FB0]  }
0x2a: {  	p0 =	seq.s32 s5, $0x0;
	s5 =	sld [smem:$0x3FB1]  }
0x2b: {  	s6 =	sld [smem:$0x3FB2]  }
0x2c: {  	s7 =	sld [smem:$0x3FB3]  }
0x2d: {  	s3 =	simm.s32 $0x108;
	s8 =	sld [smem:$0x3FB4]  }
0x2e: {  	s3 =	simm.s32 @!p0 $0x1082;
	s9 =	sld [smem:$0x3FB5]  }
0x2f: {  	lr =	sadd.s32 s0, s3;
	s0 =	sld [smem:$0x3FAC]  }
0x30: {  	s3 =	sld [smem:$0x3FAF]  }
0x31: {  	[smem:$0x3FB8] =	sst s10  }
0x32: {  	s10 =	sld [smem:$0x3FB6];
	_ =	sdelay $0x3  }
0x33: {  	p0 =	seq.s32 s10, $0x1;
	s10 =	sld [smem:$0x3FB8];
	_ =	sdelay $0x3  }
0x34: {  	[smem:$0x3FB8] =	sst s10  }
0x35: {  	s10 =	sld [smem:$0x3FB7];
	_ =	sdelay $0x3  }
0x36: {  	p1 =	seq.s32 s10, $0x1;
	s10 =	sld [smem:$0x3FB8];
	_ =	sdelay $0x3  }
0x37: {  	[smem:$0x3FB8] =	sst s10  }
0x38: {  	s10 =	sld [smem:$0x3FB9]  }
0x39: {  	_ = 	snop;
	(pc) =	sbr.ind lr, $3  }
0x3a: {  	_ = 	snop  }
0x3b: {  	_ = 	snop  }
0x3c: {  	p2 =	seq.s32 s10, $0x1;
	s10 =	sld [smem:$0x3FB8]  }
0x3d: {  	_ =	shalt  }
0x3e: {  	_ =	shalt  }
0x3f: {  	_ =	shalt  }
0x40: {  	_ =	shalt  }
0x41: {  	_ =	shalt  }
0x42: {  	_ =	shalt  }
0x43: {  	_ =	shalt  }
0x44: {  	_ =	shalt  }
0x45: {  	_ =	shalt  }
0x46: {  	_ =	shalt  }
0x47: {  	_ =	shalt  }
0x48: {  	_ =	shalt  }
0x49: {  	_ =	shalt  }
0x4a: {  	_ =	shalt  }
0x4b: {  	_ =	shalt  }
0x4c: {  	_ =	shalt  }
0x4d: {  	_ =	shalt  }
0x4e: {  	_ =	shalt  }
0x4f: {  	_ =	shalt  }
0x50: {  	_ =	shalt  }
0x51: {  	_ =	shalt  }
0x52: {  	_ =	shalt  }
0x53: {  	_ =	shalt  }
0x54: {  	_ =	shalt  }
0x55: {  	_ =	shalt  }
0x56: {  	_ =	shalt  }
0x57: {  	_ =	shalt  }
0x58: {  	_ =	shalt  }
0x59: {  	_ =	shalt  }
0x5a: {  	_ =	shalt  }
0x5b: {  	_ =	shalt  }
0x5c: {  	_ =	shalt  }
0x5d: {  	_ =	shalt  }
0x5e: {  	_ =	shalt  }
0x5f: {  	_ =	shalt  }
0x60: {  	_ =	shalt  }
0x61: {  	_ =	shalt  }
0x62: {  	_ =	shalt  }
0x63: {  	_ =	shalt  }
0x64: {  	_ =	shalt  }
0x65: {  	_ =	shalt  }
0x66: {  	_ =	shalt  }
0x67: {  	_ =	shalt  }
0x68: {  	_ =	shalt  }
0x69: {  	_ =	shalt  }
0x6a: {  	_ =	shalt  }
0x6b: {  	_ =	shalt  }
0x6c: {  	_ =	shalt  }
0x6d: {  	_ =	shalt  }
0x6e: {  	_ =	shalt  }
0x6f: {  	_ =	shalt  }
0x70: {  	_ =	shalt  }
0x71: {  	_ =	shalt  }
0x72: {  	_ =	shalt  }
0x73: {  	_ =	shalt  }
0x74: {  	_ =	shalt  }
0x75: {  	_ =	shalt  }
0x76: {  	_ =	shalt  }
0x77: {  	_ =	shalt  }
0x78: {  	_ =	shalt  }
0x79: {  	_ =	shalt  }
0x7a: {  	_ =	shalt  }
0x7b: {  	_ =	shalt  }
0x7c: {  	_ =	shalt  }
0x7d: {  	_ =	shalt  }
0x7e: {  	_ =	shalt  }
0x7f: {  	_ =	shalt  }
0x80: {  	_ =	shalt  }
0x81: {  	_ =	shalt  }
0x82: {  	_ =	shalt  }
0x83: {  	_ =	shalt  }
0x84: {  	_ =	shalt  }
0x85: {  	_ =	shalt  }
0x86: {  	_ =	shalt  }
0x87: {  	_ =	shalt  }
.Lfunc_end0:
.L_simem_size_0:
called_computation_lowered:
.L_overlay_start_0:
0x88: {  	s2 =	sld [smem:$0x3FD9]  }
0x89: {  	s3 =	sld [smem:$0x3FFE];
	_ =	sdelay $0x1  }
0x8a: {  	s1 =	srdreg.scid  }
0x8b: {  	s0 =	sand.u32 $0x1, s1  }
0x8c: {  	s18 =	sshll.u32 s0, $0xA;
	s2 =	sadd.s32 s3, s2  }
0x8d: {  	s2 =	sadd.s32 s2, s18  }
0x8e: {  	[smem:$0x3FC4] =	sst s2  }
0x8f: {  	_ = 	snop  }
0x90: {  	s2 =	sld [smem:$0x3FC9]  }
0x91: {  	s19 =	sld [smem:$0x3FC8]  }
0x92: {  	s4 =	sld [smem:$0x3FC7]  }
0x93: {  	s5 =	sld [smem:$0x3FC6]  }
0x94: {  	s6 =	sld [smem:$0x3FD0];
	(tm) =	ssettm $0x1  }
0x95: {  	s7 =	sld [smem:$0x3FFB];
	_ =	sdelay $0x3  }
0x96: {  	_ =	strace s7  }
0x97: {  	s7 =	sld [smem:$0x3FFC];
	_ =	sdelay $0x3  }
0x98: {  	_ =	strace s7  }
0x99: {  	s7 =	sld [smem:$0x3FFD];
	_ =	sdelay $0x3  }
0x9a: {  	_ =	strace s7  }
0x9b: {  	_ =	strace $0x8FFFFFFF  }
0x9c: {  	s20 =	sld [smem:$0x3FDB];
	_ =	sdelay $0x1  }
0x9d: {  	s8 =	simm.s32 $_scs_section_size  }
0x9e: {  	s9 =	simm.s32 $_size__tile_overlayer_lowered;
	s10 =	simm.s32 $_tile_overlayer_lowered  }
0x9f: {  	s23 =	simm.s32 $0x1BFF;
	s22 =	sshll.u32 s10, $0x1;
	s7 =	sadd.s32 s8, s20  }
0xa0: {  	s11 =	simm.s32 $0x0;
	s21 =	sshll.u32 s9, $0x1;
	s9 =	sadd.s32 s22, s7  }
0xa1: {  	[timem:s11], [sflag:s23] =	dma.local [hbm:s9], s21  }
0xa2: {  	_ =	swait.ge [sflag:s23], s21  }
0xa3: {  	s8 =	ssub.s32 $0x0, s21;
	[sflag:s23] =	ssyncset.done $0x0  }
0xa4: {  	[sflag:s23] =	ssyncadd.s32 s8;
	_ =	sdelay $0x1  }
0xa5: {  	s24 =	simm.s32 $0x1B8B  }
0xa6: {  	_ =	swait.ge [sflag:s24], $0x1  }
0xa7: {  	[sflag:s24] =	ssyncset.done $0x0  }
0xa8: {  	s25 =	simm.s32 $0x1B8E;
	[sflag:s24] =	ssyncadd.s32 $0xFFFFFFFF  }
0xa9: {  	s26 =	simm.s32 $execute0_lowered;
	[smem:$0x3FD2] =	sst s25  }
0xaa: {  	s8 =	sshll.u32 s26, $0x1;
	_ =	strace $0x80000046;
	[dreg:$0x1] =	wrdreg $0xFFFFFFFF  }
0xab: {  	s28 =	simm.s32 $_size_execute0_lowered;
	s7 =	sadd.s32 s7, s8;
	[dreg:$0x0] =	wrdreg $0x0  }
0xac: {  	s8 =	sshll.u32 s28, $0x1;
	[dreg:$0x2] =	wrdreg s7  }
0xad: {  	[dreg:$0x3] =	wrdreg s8  }
0xae: {  	[dreg:$0x4] =	wrdreg $0xC0  }
0xaf: {  	_ =	task [dreg:s11], $0x5FFFF  }
0xb0: {  	[dreg:$0x1] =	wrdreg $0xFFFFFFFF  }
0xb1: {  	[dreg:$0x0] =	wrdreg $0x60  }
0xb2: {  	[dreg:$0x2] =	wrdreg s2  }
0xb3: {  	[dreg:$0x3] =	wrdreg s19  }
0xb4: {  	[dreg:$0x4] =	wrdreg s4  }
0xb5: {  	[dreg:$0x5] =	wrdreg s5  }
0xb6: {  	[dreg:$0x6] =	wrdreg s6  }
0xb7: {  	[dreg:$0x7] =	wrdreg $0x9  }
0xb8: {  	_ =	task.clear_ibuf [dreg:s11], $0x8FFFF;
	_ =	strace $0x90000046  }
0xb9: {  	s29 =	simm.s32 $0x9;
	_ =	strace $0x80000048  }
0xba: {  	_ =	swait.ge [sflag:s29], $0x1  }
0xbb: {  	[sflag:s29] =	ssyncadd.s32 $0xFFFFFFFF  }
0xbc: {  	_ =	strace $0x90000048  }
0xbd: {  	_ =	sfence  }
0xbe: {  	s30 =	sld [smem:$0x0];
	_ =	sdelay $0x2  }
0xbf: {  	s31 =	sshll.u32 s1, $0xD;
	s1 =	sshrl.u32 s1, $0x2  }
0xc0: {  	s3 =	sand.u32 $0x4000, s31;
	s1 =	sadd.s32 s1, s30  }
0xc1: {  	s0 =	sor.u32 s3, s0;
	s1 =	sshll.u32 s1, $0x11  }
0xc2: {  	s0 =	sor.u32 s1, s0  }
0xc3: {  	s0 =	sadd.s32 $0x8F2B, s0  }
0xc4: {  	[sflag:s0] =	ssyncadd.remote.s32 $0x1  }
0xc5: {  	_ =	sfence.sel $0xFFFF  }
0xc6: {  	[dreg:$0x0] =	wrdreg $0xFFFFFFFF;
	(pc) =	sbr.abs _section_cstart, $3  }
0xc7: {  	[dreg:$0x1] =	wrdreg $0xFFFFFFFF  }
0xc8: {  	_ =	task.clear_ibuf [dreg:s11], $0x2FFFF;
	_ =	strace $0x9FFFFFFF  }
0xc9: {  	(tm) =	ssettm $0x7FFFFFFF  }
tec
execute0_lowered:
.L_overlay_start_1:
0x0: {  	(tag) =	ssettag $0x1  }
0x1: {  	s0 =	rddreg [dreg:$0x0]  }
0x2: {  	s1 =	rddreg [dreg:$0x4]  }
0x3: {  	s2 =	srdreg.scid;
	s3 =	stileid.u32;
	s5 =	simm.s32 $0x0  }
0x4: {  	s13 =	simm.s32 $0x2000;
	s14 =	simm.s32 $0x2080;
	s15 =	simm.s32 $0x1  }
0x5: {  	s16 =	simm.s32 $0x2;
	s17 =	simm.s32 $0x7B00;
	s18 =	simm.s32 $0x8B00  }
0x6: {  	s19 =	simm.s32 $0x9B00;
	s20 =	simm.s32 $0x2F00;
	s21 =	simm.s32 $0x3F00  }
0x7: {  	s22 =	simm.s32 $0x4F00;
	s23 =	simm.s32 $0x5F00;
	s24 =	simm.s32 $0x6F00  }
0x8: {  	s25 =	simm.s32 $0x7F00;
	s26 =	simm.s32 $0x8F00;
	s28 =	simm.s32 $0x9F00  }
0x9: {  	s29 =	simm.s32 $0x3;
	s30 =	simm.s32 $0x0;
	s2 =	sand.u32 $0x1, s2  }
0xa: {  	s3 =	sshll.u32 s3, $0xA;
	[smem:$0x7FF] =	sst s5;
	s4 =	sshll.u32 s2, $0x9  }
0xb: {  	s2 =	ssub.s32 $0x2, s2;
	_ =	strace $0x80000047;
	s3 =	sor.u32 s4, s3  }
0xc: {  	s31 =	sshrl.u32 s2, $0x1;
	s6 =	sshrl.u32 s3, $0x3;
	s7 =	sadd.s32 s1, s3  }
0xd: {  	v0 =	vlaneseq.u32;
	s2 =	ssub.s32 s2, s31;
	s6 =	sadd.s32 s0, s6;
	s8 =	sadd.s32 $0x80, s7  }
0xe: {  	vm0 =	vcmask $0x3F30;
	v0 =	vadd.s32 $0x54, v0;
	s9 =	sadd.s32 $0x100, s7;
	s10 =	sadd.s32 $0x180, s7;
	s11 =	smax.u32 s2, $0x1  }
.LBB2_1:
0xf: {  	s0 =	simm.s32 $0x2100  }
0x10: {  	[tilespmem:s0], [sflag:$0x1] =	stream.linear.gather [hbm4b:s6+s5], $0x200, $0x38;
	[tilespmem:$0xA300] =	vst v63  }
0x11: {  	s4 =	rddreg [dreg:$0x2]  }
0x12: {  	[tilespmem:s13], [sflag:$0x2] =	stream.linear.gather [hbm4b:s4+s5], $0x80, $0x38;
	[tilespmem:$0xA300] =	vst v63  }
0x13: {  	s12 =	rddreg [dreg:$0x3]  }
0x14: {  	[tilespmem:s14], [sflag:$0x2] =	stream.linear.gather [hbm4b:s12+s5], $0x80, $0x38;
	[tilespmem:$0xA300] =	vst v63  }
0x15: {  	s31 =	rddreg [dreg:$0x1]  }
0x16: {  	[tilespmem:s5], [sflag:$0x1] =	stream.linear.gather [hbm4b:s31+s5], $0x2000, $0x38;
	[tilespmem:$0xA300] =	vst v63  }
0x17: {  	_ =	swait.ge [sflag:s15], $0x2000  }
0x18: {  	[sflag:s15] =	ssyncset.done $0x0  }
0x19: {  	s2 =	simm.s32 $0x0;
	[sflag:s15] =	ssyncadd.s32 $0xFFFFE000  }
0x1a: {  	v2 =	vld [tilespmem:s2+$0x54]  }
0x1b: {  	v1 =	vimm.f32 $0.0e+00;
	v3 =	vld [tilespmem:s2+$0x0]  }
0x1c: {  	v13 =	vimm.f32 $0.0e+00;
	v19 =	vimm.f32 $0.0e+00;
	v15 =	vimm.f32 $0.0e+00;
	v18 =	vld [tilespmem:s2+$0x10]  }
0x1d: {  	v17 =	vimm.f32 $0.0e+00;
	v11 =	vimm.f32 $0.0e+00;
	v10 =	vimm.f32 $0.0e+00;
	v16 =	vld [tilespmem:s2+$0x20]  }
0x1e: {  	v9 =	vimm.f32 $0.0e+00;
	v7 =	vimm.f32 $0.0e+00;
	v5 =	vimm.f32 $0.0e+00;
	v14 =	vld [tilespmem:s2+$0x30]  }
0x1f: {  	v6 =	vimm.f32 $0.0e+00;
	v12 =	vld [tilespmem:s2+$0x40];
	v4 =	vadd.f32 v2, v1;
	v20 =	vmul.f32 v2, v2  }
0x20: {  	s1 =	simm.s32 $0x400;
	s0 =	simm.s32 $0x80;
	v8 =	vld [tilespmem:s2+$0x50];
	v2 =	vadd.f32 v3, v1;
	v21 =	vmul.f32 v3, v3;
	v3 =	vimm.f32 $0.0e+00  }
.LBB2_2:
0x21: {  	p0 =	sne.s32 s1, $0x7E00;
	v22 =	vld [tilespmem:s0+$0x54];
	v1 =	vadd.f32 v18, v1;
	v23 =	vmul.f32 v18, v18;
	v13 =	vadd.f32 v20, v13  }
0x22: {  	v24 =	vld [tilespmem:s0+$0x0];
	v19 =	vadd.f32 v21, v19;
	v15 =	vadd.f32 v16, v15;
	v20 =	vmul.f32 v16, v16  }
.Ltmp0:
0x23: {  	v18 =	vld [tilespmem:s0+$0x10];
	v17 =	vadd.f32 v23, v17;
	v11 =	vadd.f32 v14, v11;
	v21 =	vmul.f32 v14, v14;
	(pc) =	sbr.rel @p0 .LBB2_2-.Ltmp0, $4  }
0x24: {  	v16 =	vld [tilespmem:s0+$0x20];
	v10 =	vadd.f32 v20, v10;
	v9 =	vadd.f32 v12, v9;
	v23 =	vmul.f32 v12, v12  }
0x25: {  	v14 =	vld [tilespmem:s0+$0x30];
	v3 =	vadd.f32 v21, v3;
	v7 =	vadd.f32 v8, v7;
	v25 =	vmul.f32 v8, v8  }
0x26: {  	v12 =	vld [tilespmem:s0+$0x40];
	v4 =	vadd.f32 v22, v4;
	v20 =	vmul.f32 v22, v22;
	v5 =	vadd.f32 v23, v5  }
0x27: {  	v2 =	vadd.f32 v24, v2;
	v21 =	vmul.f32 v24, v24;
	v8 =	vld [tilespmem:s0+$0x50];
	s0 =	sshra.s32 s1, $0x2;
	s1 =	sadd.s32 $0x200, s1;
	v6 =	vadd.f32 v25, v6  }
0x28: {  	v22 =	vld [tilespmem:s0+$0x0];
	_ =	sdelay $0x2  }
0x29: {  	v23 =	vld [tilespmem:s0+$0x10];
	_ =	sdelay $0x1  }
0x2a: {  	v19 =	vadd.f32 v21, v19;
	v2 =	vadd.f32 v22, v2;
	v21 =	vmul.f32 v22, v22  }
0x2b: {  	v22 =	vmul.f32 v18, v18  }
0x2c: {  	v18 =	vadd.f32 v18, v1;
	v19 =	vadd.f32 v21, v19;
	v1 =	vmul.f32 $1.562500000e-02, v2  }
0x2d: {  	v2 =	vadd.f32 v22, v17;
	v17 =	vmul.f32 v23, v23  }
0x2e: {  	v18 =	vadd.f32 v23, v18;
	v19 =	vmul.f32 $1.562500000e-02, v19;
	v21 =	vmul.f32 v1, v1  }
0x2f: {  	v13 =	vadd.f32 v20, v13;
	v15 =	vadd.f32 v16, v15;
	v16 =	vmul.f32 v16, v16  }
0x30: {  	v20 =	vld [tilespmem:s0+$0x20];
	v17 =	vadd.f32 v17, v2;
	v2 =	vmul.f32 $1.562500000e-02, v18;
	v18 =	vsub.f32 v19, v21  }
0x31: {  	v24 =	vld [tilespmem:s0+$0x40];
	v11 =	vadd.f32 v14, v11;
	v14 =	vmul.f32 v14, v14;
	v10 =	vadd.f32 v16, v10  }
0x32: {  	v28 =	vld [tilespmem:s0+$0x50];
	v17 =	vmul.f32 $1.562500000e-02, v17;
	v19 =	vmul.f32 v2, v2;
	v18 =	vadd.f32 $9.999999740e-06, v18  }
0x33: {  	v9 =	vadd.f32 v12, v9;
	v12 =	vmul.f32 v12, v12;
	v14 =	vadd.f32 v14, v3  }
0x34: {  	v17 =	vsub.f32 v17, v19;
	v21 =	vshra.s32 v18, $0x1;
	v18 =	vmul.f32 $5.000000000e-01, v18  }
0x35: {  	v7 =	vadd.f32 v8, v7;
	v15 =	vadd.f32 v20, v15;
	v19 =	vsub.s32 $0x5F3759DF, v21  }
0x36: {  	v9 =	vadd.f32 v24, v9;
	v22 =	vld [tilespmem:s0+$0x30];
	v17 =	vadd.f32 $9.999999740e-06, v17;
	v16 =	vmul.f32 v19, v18  }
0x37: {  	v20 =	vmul.f32 v20, v20;
	v12 =	vadd.f32 v12, v5;
	v7 =	vadd.f32 v28, v7  }
0x38: {  	v21 =	vld [tilespmem:s0+$0x54];
	v3 =	vmul.f32 v19, v16;
	v16 =	vshra.s32 v17, $0x1;
	v17 =	vmul.f32 $5.000000000e-01, v17  }
0x39: {  	v23 =	vmul.f32 v8, v8;
	v5 =	vmul.f32 $1.562500000e-02, v9;
	v16 =	vsub.s32 $0x5F3759DF, v16  }
0x3a: {  	v7 =	vmul.f32 $1.562500000e-02, v7;
	v25 =	vsub.f32 $1.500000000e+00, v3;
	v26 =	vmul.f32 v16, v17  }
0x3b: {  	v10 =	vadd.f32 v20, v10;
	v20 =	vmul.f32 v22, v22;
	v3 =	vmul.f32 $1.562500000e-02, v15  }
0x3c: {  	v6 =	vadd.f32 v23, v6;
	v8 =	vmul.f32 v19, v25;
	v15 =	vmul.f32 v16, v26  }
0x3d: {  	v19 =	vadd.f32 v21, v4;
	v4 =	vmul.f32 $1.562500000e-02, v10;
	v10 =	vmul.f32 v3, v3  }
0x3e: {  	v14 =	vadd.f32 v20, v14;
	v27 =	vmul.f32 v21, v21;
	v21 =	vmul.f32 v8, v18  }
0x3f: {  	v23 =	vmul.f32 v24, v24;
	v15 =	vsub.f32 $1.500000000e+00, v15;
	v4 =	vsub.f32 v4, v10  }
0x40: {  	v10 =	vadd.f32 v22, v11;
	v11 =	vmul.f32 v28, v28;
	v21 =	vmul.f32 v21, v8  }
0x41: {  	v22 =	vmul.f32 v7, v7;
	v15 =	vmul.f32 v16, v15;
	v16 =	vadd.f32 $9.999999740e-06, v4  }
0x42: {  	v6 =	vadd.f32 v11, v6;
	v4 =	vmul.f32 $1.562500000e-02, v10;
	v10 =	vsub.f32 $1.500000000e+00, v21  }
0x43: {  	v11 =	vmul.f32 v15, v17;
	v21 =	vshra.s32 v16, $0x1;
	v16 =	vmul.f32 $5.000000000e-01, v16  }
0x44: {  	v6 =	vmul.f32 $1.562500000e-02, v6;
	v8 =	vmul.f32 v10, v8;
	v10 =	vsub.s32 $0x5F3759DF, v21  }
0x45: {  	v11 =	vmul.f32 v11, v15;
	v21 =	vmul.f32 v10, v16  }
0x46: {  	v12 =	vadd.f32 v23, v12;
	v14 =	vmul.f32 $1.562500000e-02, v14;
	v9 =	vmul.f32 v8, v18  }
0x47: {  	v11 =	vsub.f32 $1.500000000e+00, v11;
	v18 =	vmul.f32 v10, v21;
	v21 =	vsub.f32 v6, v22  }
0x48: {  	v13 =	vadd.f32 v27, v13;
	v6 =	vmul.f32 $1.562500000e-02, v19;
	v19 =	vmul.f32 v4, v4  }
0x49: {  	v11 =	vmul.f32 v11, v15;
	v15 =	vsub.f32 $1.500000000e+00, v18;
	v18 =	vadd.f32 $9.999999740e-06, v21  }
0x4a: {  	v12 =	vmul.f32 $1.562500000e-02, v12;
	v13 =	vmul.f32 $1.562500000e-02, v13;
	v14 =	vsub.f32 v14, v19  }
0x4b: {  	v10 =	vmul.f32 v10, v15;
	v15 =	vshra.s32 v18, $0x1;
	v18 =	vmul.f32 $5.000000000e-01, v18  }
0x4c: {  	v19 =	vmul.f32 v5, v5;
	v21 =	vmul.f32 v6, v6;
	v15 =	vsub.s32 $0x5F3759DF, v15  }
0x4d: {  	v14 =	vadd.f32 $9.999999740e-06, v14;
	v20 =	vmul.f32 v15, v18  }
0x4e: {  	v9 =	vmul.f32 v9, v8;
	v12 =	vsub.f32 v12, v19;
	v13 =	vsub.f32 v13, v21  }
0x4f: {  	v22 =	vmul.f32 v10, v16;
	v19 =	vmul.f32 v15, v20  }
0x50: {  	v12 =	vadd.f32 $9.999999740e-06, v12;
	v13 =	vadd.f32 $9.999999740e-06, v13;
	v20 =	vshra.s32 v14, $0x1  }
0x51: {  	v14 =	vmul.f32 $5.000000000e-01, v14;
	v21 =	vmul.f32 v22, v10;
	v19 =	vsub.f32 $1.500000000e+00, v19  }
0x52: {  	v23 =	vshra.s32 v12, $0x1;
	v12 =	vmul.f32 $5.000000000e-01, v12;
	v20 =	vsub.s32 $0x5F3759DF, v20  }
0x53: {  	v22 =	vmul.f32 v20, v14;
	v15 =	vmul.f32 v15, v19  }
0x54: {  	v19 =	vsub.s32 $0x5F3759DF, v23;
	v23 =	vshra.s32 v13, $0x1;
	v13 =	vmul.f32 $5.000000000e-01, v13  }
0x55: {  	v24 =	vmul.f32 v19, v12;
	v23 =	vsub.s32 $0x5F3759DF, v23;
	v25 =	vmul.f32 v15, v18  }
0x56: {  	v22 =	vmul.f32 v20, v22;
	v26 =	vmul.f32 v23, v13  }
0x57: {  	v24 =	vmul.f32 v19, v24;
	v25 =	vmul.f32 v25, v15  }
0x58: {  	_ =	swait.ge [sflag:s16], $0x80;
	v21 =	vsub.f32 $1.500000000e+00, v21;
	v22 =	vsub.f32 $1.500000000e+00, v22;
	v26 =	vmul.f32 v23, v26  }
0x59: {  	[sflag:s16] =	ssyncset.done $0x0;
	v17 =	vmul.f32 v11, v17;
	v24 =	vsub.f32 $1.500000000e+00, v24;
	v25 =	vsub.f32 $1.500000000e+00, v25  }
0x5a: {  	[sflag:s16] =	ssyncadd.s32 $0xFFFFFF80;
	v21 =	vmul.f32 v21, v10;
	v10 =	vmul.f32 v20, v22;
	v20 =	vsub.f32 $1.500000000e+00, v26  }
0x5b: {  	_ =	swait.ge [sflag:s16], $0x80;
	v19 =	vmul.f32 v19, v24;
	v15 =	vmul.f32 v25, v15  }
0x5c: {  	s1 =	simm.s32 $0x0;
	[sflag:s16] =	ssyncset.done $0x0;
	v22 =	vmul.f32 v10, v14;
	v23 =	vmul.f32 v23, v20  }
0x5d: {  	s0 =	simm.s32 $0x30;
	[sflag:s16] =	ssyncadd.s32 $0xFFFFFF80;
	v25 =	vmov s1;
	v20 =	vmul.f32 v19, v12;
	v18 =	vmul.f32 v15, v18  }
0x5e: {  	v26 =	vld [tilespmem:s0+$0x20];
	v22 =	vmul.f32 v22, v10;
	v24 =	vmul.f32 v23, v13  }
0x5f: {  	v20 =	vmul.f32 v20, v19;
	v18 =	vmul.f32 v18, v15  }
0x60: {  	v29 =	vld [tilespmem:s0+$0x0];
	v16 =	vmul.f32 v21, v16;
	v22 =	vsub.f32 $1.500000000e+00, v22;
	v24 =	vmul.f32 v24, v23  }
0x61: {  	v17 =	vmul.f32 v17, v11;
	v27 =	vsub.f32 $1.500000000e+00, v20;
	v18 =	vsub.f32 $1.500000000e+00, v18  }
0x62: {  	v28 =	vmul.f32 v16, v21;
	v22 =	vmul.f32 v22, v10;
	v20 =	vld.idx.msk [tilespmem:v25+s13+$0x0], $0xffff;
	v10 =	vsub.f32 $1.500000000e+00, v24  }
0x63: {  	v19 =	vmul.f32 v27, v19;
	v15 =	vmul.f32 v18, v15;
	v18 =	vsub.f32 v26, v7  }
0x64: {  	v16 =	vld.idx.msk [tilespmem:v25+s14+$0x0], $0xffff;
	v14 =	vmul.f32 v22, v14;
	v23 =	vmul.f32 v10, v23  }
0x65: {  	v29 =	vsub.f32 v29, v4;
	v24 =	vld [tilespmem:s0+$0xFFFFFFD0];
	v10 =	vmul.f32 v19, v12;
	v12 =	vmul.f32 v18, v15  }
0x66: {  	v9 =	vsub.f32 $1.500000000e+00, v9;
	v17 =	vsub.f32 $1.500000000e+00, v17;
	v27 =	vld [tilespmem:s0+$0xFFFFFFF0];
	v13 =	vmul.f32 v23, v13  }
0x67: {  	s4 =	simm.s32 $0x1;
	v28 =	vsub.f32 $1.500000000e+00, v28;
	v26 =	vld [tilespmem:s0+$0xFFFFFFE0];
	v14 =	vmul.f32 v14, v22;
	v12 =	vmul.f32 v12, v20  }
0x68: {  	s31 =	simm.s32 $0xB0;
	v18 =	vmov s4;
	v10 =	vmul.f32 v10, v19;
	v30 =	vmul.f32 v13, v23  }
0x69: {  	v31 =	vld [tilespmem:s31+$0x20];
	v14 =	vsub.f32 $1.500000000e+00, v14;
	v13 =	vmul.f32 v9, v8;
	v9 =	vadd.f32 v12, v16  }
0x6a: {  	v8 =	vsub.f32 $1.500000000e+00, v10;
	v10 =	vmul.f32 v17, v11;
	v17 =	vsub.f32 $1.500000000e+00, v30  }
0x6b: {  	v11 =	vmul.f32 v28, v21;
	v21 =	vld [tilespmem:s0+$0x10];
	v12 =	vmul.f32 v14, v22;
	v14 =	vsub.f32 v24, v1;
	[tilespmem:s0+$0x20] =	vst v9  }
0x6c: {  	v22 =	vsub.f32 v26, v2;
	v9 =	vmul.f32 v17, v23;
	v23 =	vsub.f32 v27, v3;
	v28 =	vld [tilespmem:s0+$0x24]  }
0x6d: {  	v25 =	vshll.u32 v25, $0x7;
	v8 =	vmul.f32 v8, v19;
	v17 =	vld.idx.msk [tilespmem:v18+s13+$0x0], $0xffff;
	v26 =	vmul.f32 v14, v13  }
0x6e: {  	s12 =	simm.s32 $0x2;
	v24 =	vld [tilespmem:s31+$0xFFFFFFD0];
	v27 =	vsub.f32 v31, v7;
	v22 =	vmul.f32 v22, v10;
	v30 =	vmul.f32 v23, v11  }
0x6f: {  	v19 =	vld.idx.msk [tilespmem:v18+s14+$0x0], $0xffff;
	v14 =	vmov s12;
	v31 =	vmul.f32 v26, v20;
	v26 =	vmul.f32 v29, v12  }
0x70: {  	v23 =	vld [tilespmem:s31+$0xFFFFFFE0];
	v29 =	vmul.f32 v27, v15;
	v32 =	vmul.f32 v22, v20;
	v33 =	vsub.f32 v21, v5  }
0x71: {  	v22 =	vld [tilespmem:s31+$0xFFFFFFF0];
	v27 =	vadd.f32 v31, v16;
	v30 =	vmul.f32 v30, v20;
	v28 =	vsub.f32 v28, v6  }
0x72: {  	s3 =	simm.s32 $0x130;
	s1 =	simm.s32 $0x3;
	v21 =	vld [tilespmem:s31+$0x0];
	v31 =	vmul.f32 v29, v17;
	v29 =	vadd.f32 v32, v16;
	v32 =	vmul.f32 v33, v8  }
.LBB2_4:
0x73: {  	p0 =	sne.s32 s1, $0x3F;
	v33 =	vld [tilespmem:s3+$0x20];
	[tilespmem:s0+$0xFFFFFFD0] =	vst v27;
	v27 =	vadd.f32 v30, v16;
	v26 =	vmul.f32 v26, v20;
	v28 =	vmul.f32 v28, v9  }
0x74: {  	v25 =	vor.u32 v0, v25;
	v30 =	vadd.f32 v31, v19;
	[tilespmem:s0+$0xFFFFFFE0] =	vst v29;
	v29 =	vmul.f32 v32, v20  }
0x75: {  	v24 =	vsub.f32 v24, v1;
	v31 =	vld [tilespmem:s31+$0x10];
	[tilespmem:s0+$0xFFFFFFF0] =	vst v27;
	v26 =	vadd.f32 v26, v16;
	v27 =	vmul.f32 v28, v20  }
0x76: {  	v23 =	vsub.f32 v23, v2;
	v20 =	vmov v17;
	[tilespmem:s31+$0x20] =	vst v30;
	v28 =	vadd.f32 v29, v16;
	v17 =	vld.idx.msk [tilespmem:v14+s13+$0x0], $0xffff  }
0x77: {  	v22 =	vsub.f32 v22, v3;
	v29 =	vld [tilespmem:s31+$0x24];
	[tilespmem:s0+$0x0] =	vst v26;
	v26 =	vadd.f32 v27, v16;
	v16 =	vmov v19  }
0x78: {  	v30 =	vmul.f32 v24, v13;
	v21 =	vsub.f32 v21, v4;
	v27 =	vsub.f32 v33, v7;
	[tilespmem:s0+$0x10] =	vst v28;
	s0 =	smov.u32 s31;
	s31 =	smov.u32 s3  }
.Ltmp1:
0x79: {  	v32 =	vmul.f32 v23, v10;
	v28 =	vmov s1;
	v33 =	vmul.f32 v22, v11;
	v19 =	vld.idx.msk [tilespmem:v14+s14+$0x0], $0xffff;
	[tilespmem:v25+s5+$0x0] =	vst.idx.msk vm0, v26;
	(pc) =	sbr.rel @p0 .LBB2_4-.Ltmp1, $4  }
0x7a: {  	v30 =	vmul.f32 v30, v20;
	v26 =	vmul.f32 v21, v12;
	v25 =	vshll.u32 v18, $0x7;
	v18 =	vmovc v14;
	v14 =	vmovc v28;
	v24 =	vld [tilespmem:s3+$0xFFFFFFD0]  }
0x7b: {  	v32 =	vmul.f32 v32, v20;
	v34 =	vmul.f32 v27, v15;
	v35 =	vsub.f32 v31, v5;
	v23 =	vld [tilespmem:s3+$0xFFFFFFE0]  }
0x7c: {  	v27 =	vadd.f32 v30, v16;
	v30 =	vmul.f32 v33, v20;
	v22 =	vld [tilespmem:s3+$0xFFFFFFF0];
	v28 =	vsub.f32 v29, v6  }
0x7d: {  	s1 =	sadd.s32 $0x1, s1;
	v31 =	vmul.f32 v34, v17;
	s3 =	sadd.s32 $0x80, s3;
	v29 =	vadd.f32 v32, v16;
	v32 =	vmul.f32 v35, v8;
	v21 =	vld [tilespmem:s31+$0x0]  }
0x7e: {  	_ =	sdelay $0x1  }
0x7f: {  	v33 =	vld [tilespmem:s3+$0x20]  }
0x80: {  	v63 =	vld [tilespmem:s31+$0x10]  }
0x81: {  	v36 =	vld.idx.msk [tilespmem:v14+s13+$0x0], $0xffff  }
0x82: {  	v30 =	vadd.f32 v30, v16;
	v26 =	vmul.f32 v26, v20;
	v39 =	vld.idx.msk [tilespmem:v14+s14+$0x0], $0xffff  }
0x83: {  	v61 =	vmul.f32 v28, v9;
	v25 =	vor.u32 v0, v25;
	v42 =	vld [tilespmem:s3+$0xFFFFFFD0];
	v46 =	vshll.u32 v18, $0x7  }
0x84: {  	v44 =	vld [tilespmem:s3+$0xFFFFFFE0];
	v31 =	vadd.f32 v31, v19;
	v62 =	vmul.f32 v32, v20;
	v24 =	vsub.f32 v24, v1  }
0x85: {  	v48 =	vld [tilespmem:s3+$0xFFFFFFF0];
	v52 =	vor.u32 v0, v46;
	v26 =	vadd.f32 v26, v16;
	v7 =	vsub.f32 v33, v7  }
0x86: {  	[tilespmem:s0+$0xFFFFFFD0] =	vst v27;
	v50 =	vld [tilespmem:s3+$0x0];
	v37 =	vmul.f32 v61, v20;
	v23 =	vsub.f32 v23, v2;
	v28 =	vadd.f32 v62, v16  }
0x87: {  	[tilespmem:s0+$0xFFFFFFE0] =	vst v29;
	v22 =	vsub.f32 v22, v3;
	v24 =	vmul.f32 v24, v13;
	v7 =	vmul.f32 v7, v15  }
0x88: {  	v51 =	vld [tilespmem:s3+$0x10];
	[tilespmem:s0+$0xFFFFFFF0] =	vst v30;
	v21 =	vsub.f32 v21, v4;
	v23 =	vmul.f32 v23, v10;
	v40 =	vadd.f32 v37, v16  }
0x89: {  	[tilespmem:s31+$0x20] =	vst v31;
	v45 =	vsub.f32 v63, v5;
	v1 =	vsub.f32 v42, v1;
	v7 =	vmul.f32 v7, v36  }
0x8a: {  	[tilespmem:s0+$0x0] =	vst v26;
	v41 =	vmul.f32 v22, v11;
	v2 =	vsub.f32 v44, v2;
	v3 =	vsub.f32 v48, v3  }
0x8b: {  	v43 =	vmul.f32 v24, v17;
	[tilespmem:s0+$0x10] =	vst v28;
	v57 =	vsub.f32 v50, v4;
	v7 =	vadd.f32 v7, v39  }
0x8c: {  	v60 =	vshll.u32 v14, $0x7;
	v38 =	vld [tilespmem:s31+$0x24];
	v21 =	vmul.f32 v21, v12;
	[tilespmem:v25+s5+$0x0] =	vst.idx.msk vm0, v40;
	v47 =	vmul.f32 v23, v17  }
0x8d: {  	v59 =	vsub.f32 v51, v5;
	v16 =	vmul.f32 v41, v17;
	v26 =	vmul.f32 v45, v8;
	[tilespmem:s3+$0x20] =	vst v7  }
0x8e: {  	v22 =	vadd.f32 v43, v19;
	v1 =	vmul.f32 v1, v13;
	v2 =	vmul.f32 v2, v10;
	v54 =	vld [tilespmem:s3+$0x24]  }
0x8f: {  	v3 =	vmul.f32 v3, v11;
	v18 =	vadd.f32 v47, v19;
	v21 =	vmul.f32 v21, v17  }
0x90: {  	v4 =	vmul.f32 v57, v12;
	v16 =	vadd.f32 v16, v19;
	v26 =	vmul.f32 v26, v17;
	[tilespmem:s31+$0xFFFFFFD0] =	vst v22  }
0x91: {  	v49 =	vsub.f32 v38, v6;
	v1 =	vmul.f32 v1, v36;
	v53 =	vadd.f32 v21, v19;
	[tilespmem:s31+$0xFFFFFFE0] =	vst v18  }
0x92: {  	v2 =	vmul.f32 v2, v36;
	v3 =	vmul.f32 v3, v36;
	[tilespmem:s31+$0xFFFFFFF0] =	vst v16;
	v56 =	vadd.f32 v26, v19  }
0x93: {  	v25 =	vmul.f32 v49, v9;
	v1 =	vadd.f32 v1, v39;
	[tilespmem:s31+$0x0] =	vst v53;
	v61 =	vsub.f32 v54, v6  }
0x94: {  	v5 =	vmul.f32 v59, v8;
	v4 =	vmul.f32 v4, v36;
	v2 =	vadd.f32 v2, v39;
	[tilespmem:s31+$0x10] =	vst v56  }
0x95: {  	v55 =	vmul.f32 v25, v17;
	[tilespmem:s3+$0xFFFFFFD0] =	vst v1;
	v1 =	vadd.f32 v3, v39;
	v6 =	vmul.f32 v61, v9  }
0x96: {  	v62 =	vor.u32 v0, v60;
	v3 =	vmul.f32 v5, v36;
	[tilespmem:s3+$0xFFFFFFE0] =	vst v2;
	v2 =	vadd.f32 v4, v39  }
0x97: {  	v58 =	vadd.f32 v55, v19;
	[tilespmem:s3+$0xFFFFFFF0] =	vst v1;
	v63 =	vmul.f32 v6, v36  }
0x98: {  	v1 =	vadd.f32 v3, v39;
	[tilespmem:s3+$0x0] =	vst v2  }
0x99: {  	[tilespmem:v52+s5+$0x0] =	vst.idx.msk vm0, v58;
	v2 =	vadd.f32 v63, v39  }
0x9a: {  	[tilespmem:s3+$0x10] =	vst v1  }
0x9b: {  	[tilespmem:v62+s5+$0x0] =	vst.idx.msk vm0, v2  }
0x9c: {  	_ =	swait.ge [sflag:s15], $0x200  }
0x9d: {  	[sflag:s15] =	ssyncset.done $0x0  }
0x9e: {  	s1 =	simm.s32 $0x3300;
	s0 =	simm.s32 $0x0;
	[sflag:s15] =	ssyncadd.s32 $0xFFFFFE00  }
.LBB2_6:
0x9f: {  	s2 =	sshll.u32 s0, $0x4  }
0xa0: {  	v1 =	vld [tilespmem:s2+$0x2100];
	_ =	sdelay $0x6  }
0xa1: {  	s3 =	simm.s32 $0x400  }
0xa2: {  	v2 =	vld.idx.msk [tilespmem:v1+s3+$0x380], $0xffff  }
0xa3: {  	v3 =	vld.idx.msk [tilespmem:v1+s3+$0xFFFFFC80], $0xffff  }
0xa4: {  	v4 =	vld.idx.msk [tilespmem:v1+s3+$0xFFFFFD00], $0xffff  }
0xa5: {  	v5 =	vld.idx.msk [tilespmem:v1+s3+$0xFFFFFD80], $0xffff  }
0xa6: {  	v6 =	vld.idx.msk [tilespmem:v1+s3+$0xFFFFFE00], $0xffff  }
0xa7: {  	v7 =	vld.idx.msk [tilespmem:v1+s3+$0xFFFFFE80], $0xffff  }
0xa8: {  	v8 =	vld.idx.msk [tilespmem:v1+s3+$0xFFFFFF00], $0xffff;
	[tilespmem:s1+$0x380] =	vst v2  }
0xa9: {  	v9 =	vld.idx.msk [tilespmem:v1+s3+$0xFFFFFF80], $0xffff;
	[tilespmem:s1+$0xFFFFF080] =	vst v3  }
0xaa: {  	v10 =	vld.idx.msk [tilespmem:v1+s3+$0x0], $0xffff;
	[tilespmem:s1+$0xFFFFF100] =	vst v4  }
0xab: {  	v11 =	vld.idx.msk [tilespmem:v1+s3+$0x80], $0xffff;
	[tilespmem:s1+$0xFFFFF180] =	vst v5  }
0xac: {  	[tilespmem:s1+$0xFFFFF200] =	vst v6;
	v2 =	vld.idx.msk [tilespmem:v1+s3+$0x100], $0xffff  }
0xad: {  	[tilespmem:s1+$0xFFFFF280] =	vst v7;
	v3 =	vld.idx.msk [tilespmem:v1+s3+$0x180], $0xffff  }
0xae: {  	[tilespmem:s1+$0xFFFFF300] =	vst v8;
	v4 =	vld.idx.msk [tilespmem:v1+s3+$0x200], $0xffff  }
0xaf: {  	[tilespmem:s1+$0xFFFFF380] =	vst v9;
	v6 =	vld.idx.msk [tilespmem:v1+s3+$0x280], $0xffff  }
0xb0: {  	[tilespmem:s1+$0x0] =	vst v10;
	v7 =	vld.idx.msk [tilespmem:v1+s3+$0x300], $0xffff  }
0xb1: {  	s4 =	simm.s32 $0xC00;
	s2 =	simm.s32 $0x0;
	v5 =	vld.idx.msk [tilespmem:v1+s3+$0xFFFFFC00], $0xffff;
	[tilespmem:s1+$0x80] =	vst v11;
	s3 =	smov.u32 s1  }
.LBB2_7:
0xb2: {  	v8 =	vld.idx.msk [tilespmem:v1+s4+$0x380], $0xffff;
	s2 =	sadd.s32 $0x10, s2;
	[tilespmem:s3+$0x100] =	vst v2  }
0xb3: {  	v2 =	vld.idx.msk [tilespmem:v1+s4+$0xFFFFFC80], $0xffff;
	p0 =	slt.u32 s2, $0x30;
	[tilespmem:s3+$0x180] =	vst v3  }
0xb4: {  	v3 =	vld.idx.msk [tilespmem:v1+s4+$0xFFFFFD00], $0xffff;
	[tilespmem:s3+$0x200] =	vst v4  }
0xb5: {  	v4 =	vld.idx.msk [tilespmem:v1+s4+$0xFFFFFD80], $0xffff;
	[tilespmem:s3+$0x280] =	vst v6  }
0xb6: {  	v6 =	vld.idx.msk [tilespmem:v1+s4+$0xFFFFFE00], $0xffff;
	[tilespmem:s3+$0x300] =	vst v7  }
0xb7: {  	v7 =	vld.idx.msk [tilespmem:v1+s4+$0xFFFFFE80], $0xffff;
	[tilespmem:s3+$0xFFFFF000] =	vst v5;
	s3 =	sadd.s32 $0x2000, s3  }
0xb8: {  	v5 =	vld.idx.msk [tilespmem:v1+s4+$0xFFFFFF00], $0xffff;
	[tilespmem:s3+$0x380] =	vst v8  }
0xb9: {  	[tilespmem:s3+$0xFFFFF080] =	vst v2;
	v8 =	vld.idx.msk [tilespmem:v1+s4+$0xFFFFFF80], $0xffff  }
0xba: {  	[tilespmem:s3+$0xFFFFF100] =	vst v3;
	v9 =	vld.idx.msk [tilespmem:v1+s4+$0x0], $0xffff  }
0xbb: {  	[tilespmem:s3+$0xFFFFF180] =	vst v4;
	v10 =	vld.idx.msk [tilespmem:v1+s4+$0x80], $0xffff  }
0xbc: {  	[tilespmem:s3+$0xFFFFF200] =	vst v6;
	v2 =	vld.idx.msk [tilespmem:v1+s4+$0x100], $0xffff  }
.Ltmp2:
0xbd: {  	[tilespmem:s3+$0xFFFFF280] =	vst v7;
	v3 =	vld.idx.msk [tilespmem:v1+s4+$0x180], $0xffff;
	(pc) =	sbr.rel @p0 .LBB2_7-.Ltmp2, $4  }
0xbe: {  	[tilespmem:s3+$0xFFFFF300] =	vst v5;
	v4 =	vld.idx.msk [tilespmem:v1+s4+$0x200], $0xffff  }
0xbf: {  	[tilespmem:s3+$0xFFFFF380] =	vst v8;
	v6 =	vld.idx.msk [tilespmem:v1+s4+$0x280], $0xffff  }
0xc0: {  	[tilespmem:s3+$0x0] =	vst v9;
	v7 =	vld.idx.msk [tilespmem:v1+s4+$0x300], $0xffff  }
0xc1: {  	v5 =	vld.idx.msk [tilespmem:v1+s4+$0xFFFFFC00], $0xffff;
	[tilespmem:s3+$0x80] =	vst v10;
	s4 =	sadd.s32 $0x800, s4  }
0xc2: {  	s0 =	sadd.s32 $0x1, s0  }
0xc3: {  	[tilespmem:s3+$0x100] =	vst v2;
	p0 =	sne.s32 s0, $0x8  }
.Ltmp3:
0xc4: {  	[tilespmem:s3+$0x180] =	vst v3;
	(pc) =	sbr.rel @p0 .LBB2_6-.Ltmp3, $4  }
0xc5: {  	[tilespmem:s3+$0x200] =	vst v4  }
0xc6: {  	[tilespmem:s3+$0x280] =	vst v6  }
0xc7: {  	[tilespmem:s3+$0x300] =	vst v7  }
0xc8: {  	s1 =	sadd.s32 $0x10, s1;
	[tilespmem:s3+$0xFFFFF000] =	vst v5  }
0xc9: {  	s0 =	simm.s32 $0x2300  }
0xca: {  	[hbm4b:s7+s5] =	stream.linear.scatter [tilespmem:s0], [sflag:$0x3], $0x400, $0x38;
	[tilespmem:$0xA300] =	vst v63  }
0xcb: {  	s1 =	sadd.s32 $0x4000, s7;
	s2 =	simm.s32 $0x3300  }
0xcc: {  	[hbm4b:s1+s5] =	stream.linear.scatter [tilespmem:s2], [sflag:$0x3], $0x400, $0x38;
	[tilespmem:$0xA300] =	vst v63  }
0xcd: {  	s3 =	sadd.s32 $0x8000, s7;
	s1 =	simm.s32 $0x4300  }
0xce: {  	[hbm4b:s3+s5] =	stream.linear.scatter [tilespmem:s1], [sflag:$0x3], $0x400, $0x38;
	[tilespmem:$0xA300] =	vst v63  }
0xcf: {  	s4 =	sadd.s32 $0xC000, s7;
	s12 =	simm.s32 $0x5300  }
0xd0: {  	[hbm4b:s4+s5] =	stream.linear.scatter [tilespmem:s12], [sflag:$0x3], $0x400, $0x38;
	[tilespmem:$0xA300] =	vst v63  }
0xd1: {  	s1 =	sadd.s32 $0x10000, s7;
	s3 =	simm.s32 $0x6300  }
0xd2: {  	[hbm4b:s1+s5] =	stream.linear.scatter [tilespmem:s3], [sflag:$0x3], $0x400, $0x38;
	[tilespmem:$0xA300] =	vst v63  }
0xd3: {  	s31 =	simm.s32 $0x400;
	s4 =	sadd.s32 $0x14000, s7;
	s12 =	simm.s32 $0x7300  }
0xd4: {  	[hbm4b:s4+s5] =	stream.linear.scatter [tilespmem:s12], [sflag:$0x3], $0x400, $0x38;
	[tilespmem:$0xA300] =	vst v63  }
0xd5: {  	s1 =	sadd.s32 $0x18000, s7;
	s3 =	simm.s32 $0x8300;
	s4 =	sadd.s32 $0x1C000, s7  }
0xd6: {  	[hbm4b:s1+s5] =	stream.linear.scatter [tilespmem:s3], [sflag:$0x3], $0x400, $0x38;
	[tilespmem:$0xA300] =	vst v63  }
0xd7: {  	s12 =	simm.s32 $0x9300;
	s3 =	simm.s32 $0x8;
	s1 =	simm.s32 $0x400  }
0xd8: {  	[hbm4b:s4+s5] =	stream.linear.scatter [tilespmem:s12], [sflag:$0x3], $0x400, $0x38;
	[tilespmem:$0xA300] =	vst v63  }
.LBB2_10:
0xd9: {  	s0 =	sshll.u32 s3, $0x4  }
0xda: {  	v2 =	vld [tilespmem:s0+$0x2100];
	_ =	sdelay $0x5  }
0xdb: {  	s12 =	sshll.u32 s1, $0x2  }
0xdc: {  	s0 =	sand.u32 $0xFFFFF000, s12  }
0xdd: {  	s0 =	sshra.s32 s0, $0x2;
	v3 =	vld.idx.msk [tilespmem:v2+s31+$0x380], $0xffff  }
0xde: {  	v1 =	vmov s0;
	v4 =	vld.idx.msk [tilespmem:v2+s31+$0xFFFFFC80], $0xffff  }
0xdf: {  	v5 =	vld.idx.msk [tilespmem:v2+s31+$0xFFFFFD00], $0xffff  }
0xe0: {  	v6 =	vld.idx.msk [tilespmem:v2+s31+$0xFFFFFD80], $0xffff  }
0xe1: {  	v7 =	vld.idx.msk [tilespmem:v2+s31+$0xFFFFFE00], $0xffff  }
0xe2: {  	v8 =	vld.idx.msk [tilespmem:v2+s31+$0xFFFFFE80], $0xffff  }
0xe3: {  	v9 =	vld.idx.msk [tilespmem:v2+s31+$0xFFFFFF00], $0xffff;
	[tilespmem:v1+s2+$0x380 ss:$0x1] =	vst.idx.msk $0xffff, v3  }
0xe4: {  	v10 =	vld.idx.msk [tilespmem:v2+s31+$0xFFFFFF80], $0xffff;
	[tilespmem:v1+s2+$0xFFFFF080 ss:$0x1] =	vst.idx.msk $0xffff, v4  }
0xe5: {  	v11 =	vld.idx.msk [tilespmem:v2+s31+$0x0], $0xffff;
	[tilespmem:v1+s2+$0xFFFFF100 ss:$0x1] =	vst.idx.msk $0xffff, v5  }
0xe6: {  	v12 =	vld.idx.msk [tilespmem:v2+s31+$0x80], $0xffff;
	[tilespmem:v1+s2+$0xFFFFF180 ss:$0x1] =	vst.idx.msk $0xffff, v6  }
0xe7: {  	[tilespmem:v1+s2+$0xFFFFF200 ss:$0x1] =	vst.idx.msk $0xffff, v7;
	v3 =	vld.idx.msk [tilespmem:v2+s31+$0x100], $0xffff  }
0xe8: {  	[tilespmem:v1+s2+$0xFFFFF280 ss:$0x1] =	vst.idx.msk $0xffff, v8;
	v4 =	vld.idx.msk [tilespmem:v2+s31+$0x180], $0xffff  }
0xe9: {  	[tilespmem:v1+s2+$0xFFFFF300 ss:$0x1] =	vst.idx.msk $0xffff, v9;
	v5 =	vld.idx.msk [tilespmem:v2+s31+$0x200], $0xffff  }
0xea: {  	[tilespmem:v1+s2+$0xFFFFF380 ss:$0x1] =	vst.idx.msk $0xffff, v10;
	v7 =	vld.idx.msk [tilespmem:v2+s31+$0x280], $0xffff  }
0xeb: {  	[tilespmem:v1+s2+$0x0 ss:$0x1] =	vst.idx.msk $0xffff, v11;
	v8 =	vld.idx.msk [tilespmem:v2+s31+$0x300], $0xffff  }
0xec: {  	s4 =	simm.s32 $0x0;
	s12 =	simm.s32 $0xC00;
	s0 =	smov.u32 s2;
	v6 =	vld.idx.msk [tilespmem:v2+s31+$0xFFFFFC00], $0xffff;
	[tilespmem:v1+s2+$0x80 ss:$0x1] =	vst.idx.msk $0xffff, v12  }
.LBB2_11:
0xed: {  	v9 =	vld.idx.msk [tilespmem:v2+s12+$0x380], $0xffff;
	s4 =	sadd.s32 $0x10, s4;
	[tilespmem:v1+s0+$0x100 ss:$0x1] =	vst.idx.msk $0xffff, v3  }
0xee: {  	v3 =	vld.idx.msk [tilespmem:v2+s12+$0xFFFFFC80], $0xffff;
	p0 =	slt.u32 s4, $0x30;
	[tilespmem:v1+s0+$0x180 ss:$0x1] =	vst.idx.msk $0xffff, v4  }
0xef: {  	v4 =	vld.idx.msk [tilespmem:v2+s12+$0xFFFFFD00], $0xffff;
	[tilespmem:v1+s0+$0x200 ss:$0x1] =	vst.idx.msk $0xffff, v5  }
0xf0: {  	v5 =	vld.idx.msk [tilespmem:v2+s12+$0xFFFFFD80], $0xffff;
	[tilespmem:v1+s0+$0x280 ss:$0x1] =	vst.idx.msk $0xffff, v7  }
0xf1: {  	v7 =	vld.idx.msk [tilespmem:v2+s12+$0xFFFFFE00], $0xffff;
	[tilespmem:v1+s0+$0x300 ss:$0x1] =	vst.idx.msk $0xffff, v8  }
0xf2: {  	v8 =	vld.idx.msk [tilespmem:v2+s12+$0xFFFFFE80], $0xffff;
	[tilespmem:v1+s0+$0xFFFFF000 ss:$0x1] =	vst.idx.msk $0xffff, v6;
	s0 =	sadd.s32 $0x2000, s0  }
0xf3: {  	v6 =	vld.idx.msk [tilespmem:v2+s12+$0xFFFFFF00], $0xffff;
	[tilespmem:v1+s0+$0x380 ss:$0x1] =	vst.idx.msk $0xffff, v9  }
0xf4: {  	[tilespmem:v1+s0+$0xFFFFF080 ss:$0x1] =	vst.idx.msk $0xffff, v3;
	v9 =	vld.idx.msk [tilespmem:v2+s12+$0xFFFFFF80], $0xffff  }
0xf5: {  	[tilespmem:v1+s0+$0xFFFFF100 ss:$0x1] =	vst.idx.msk $0xffff, v4;
	v10 =	vld.idx.msk [tilespmem:v2+s12+$0x0], $0xffff  }
0xf6: {  	[tilespmem:v1+s0+$0xFFFFF180 ss:$0x1] =	vst.idx.msk $0xffff, v5;
	v11 =	vld.idx.msk [tilespmem:v2+s12+$0x80], $0xffff  }
0xf7: {  	[tilespmem:v1+s0+$0xFFFFF200 ss:$0x1] =	vst.idx.msk $0xffff, v7;
	v3 =	vld.idx.msk [tilespmem:v2+s12+$0x100], $0xffff  }
.Ltmp4:
0xf8: {  	[tilespmem:v1+s0+$0xFFFFF280 ss:$0x1] =	vst.idx.msk $0xffff, v8;
	v4 =	vld.idx.msk [tilespmem:v2+s12+$0x180], $0xffff;
	(pc) =	sbr.rel @p0 .LBB2_11-.Ltmp4, $4  }
0xf9: {  	[tilespmem:v1+s0+$0xFFFFF300 ss:$0x1] =	vst.idx.msk $0xffff, v6;
	v5 =	vld.idx.msk [tilespmem:v2+s12+$0x200], $0xffff  }
0xfa: {  	[tilespmem:v1+s0+$0xFFFFF380 ss:$0x1] =	vst.idx.msk $0xffff, v9;
	v7 =	vld.idx.msk [tilespmem:v2+s12+$0x280], $0xffff  }
0xfb: {  	[tilespmem:v1+s0+$0x0 ss:$0x1] =	vst.idx.msk $0xffff, v10;
	v8 =	vld.idx.msk [tilespmem:v2+s12+$0x300], $0xffff  }
0xfc: {  	v6 =	vld.idx.msk [tilespmem:v2+s12+$0xFFFFFC00], $0xffff;
	[tilespmem:v1+s0+$0x80 ss:$0x1] =	vst.idx.msk $0xffff, v11;
	s12 =	sadd.s32 $0x800, s12  }
0xfd: {  	_ =	sdelay $0x2  }
0xfe: {  	s3 =	sadd.s32 $0x1, s3  }
0xff: {  	[tilespmem:v1+s0+$0x100 ss:$0x1] =	vst.idx.msk $0xffff, v3;
	p0 =	sne.s32 s3, $0x10  }
.Ltmp5:
0x100: {  	[tilespmem:v1+s0+$0x180 ss:$0x1] =	vst.idx.msk $0xffff, v4;
	(pc) =	sbr.rel @p0 .LBB2_10-.Ltmp5, $4  }
0x101: {  	[tilespmem:v1+s0+$0x200 ss:$0x1] =	vst.idx.msk $0xffff, v5  }
0x102: {  	[tilespmem:v1+s0+$0x280 ss:$0x1] =	vst.idx.msk $0xffff, v7  }
0x103: {  	[tilespmem:v1+s0+$0x300 ss:$0x1] =	vst.idx.msk $0xffff, v8  }
0x104: {  	s1 =	sadd.s32 $0x80, s1;
	s2 =	sadd.s32 $0x10, s2;
	[tilespmem:v1+s0+$0xFFFFF000 ss:$0x1] =	vst.idx.msk $0xffff, v6  }
0x105: {  	s0 =	simm.s32 $0x2700  }
0x106: {  	[hbm4b:s8+s5] =	stream.linear.scatter [tilespmem:s0], [sflag:$0x3], $0x400, $0x38;
	[tilespmem:$0xA300] =	vst v63  }
0x107: {  	s12 =	sadd.s32 $0x4000, s8;
	s1 =	simm.s32 $0x3700  }
0x108: {  	[hbm4b:s12+s5] =	stream.linear.scatter [tilespmem:s1], [sflag:$0x3], $0x400, $0x38;
	[tilespmem:$0xA300] =	vst v63  }
0x109: {  	s2 =	sadd.s32 $0x8000, s8;
	s3 =	simm.s32 $0x4700  }
0x10a: {  	[hbm4b:s2+s5] =	stream.linear.scatter [tilespmem:s3], [sflag:$0x3], $0x400, $0x38;
	[tilespmem:$0xA300] =	vst v63  }
0x10b: {  	s4 =	sadd.s32 $0xC000, s8;
	s12 =	simm.s32 $0x5700  }
0x10c: {  	[hbm4b:s4+s5] =	stream.linear.scatter [tilespmem:s12], [sflag:$0x3], $0x400, $0x38;
	[tilespmem:$0xA300] =	vst v63  }
0x10d: {  	s2 =	sadd.s32 $0x10000, s8;
	s3 =	simm.s32 $0x6700  }
0x10e: {  	[hbm4b:s2+s5] =	stream.linear.scatter [tilespmem:s3], [sflag:$0x3], $0x400, $0x38;
	[tilespmem:$0xA300] =	vst v63  }
0x10f: {  	s31 =	simm.s32 $0x3300;
	s4 =	sadd.s32 $0x14000, s8;
	s12 =	simm.s32 $0x7700  }
0x110: {  	[hbm4b:s4+s5] =	stream.linear.scatter [tilespmem:s12], [sflag:$0x3], $0x400, $0x38;
	[tilespmem:$0xA300] =	vst v63  }
0x111: {  	s0 =	simm.s32 $0x10;
	s2 =	sadd.s32 $0x18000, s8;
	s3 =	simm.s32 $0x8700  }
0x112: {  	[hbm4b:s2+s5] =	stream.linear.scatter [tilespmem:s3], [sflag:$0x3], $0x400, $0x38;
	[tilespmem:$0xA300] =	vst v63  }
0x113: {  	s4 =	sadd.s32 $0x1C000, s8;
	s12 =	simm.s32 $0x9700;
	s3 =	simm.s32 $0x800  }
0x114: {  	[hbm4b:s4+s5] =	stream.linear.scatter [tilespmem:s12], [sflag:$0x3], $0x400, $0x38;
	[tilespmem:$0xA300] =	vst v63  }
.LBB2_14:
0x115: {  	s1 =	sshll.u32 s0, $0x4  }
0x116: {  	v2 =	vld [tilespmem:s1+$0x2100];
	_ =	sdelay $0x5  }
0x117: {  	s12 =	sshll.u32 s3, $0x2  }
0x118: {  	s4 =	simm.s32 $0x400;
	s1 =	sand.u32 $0xFFFFF000, s12  }
0x119: {  	s1 =	sshra.s32 s1, $0x2;
	v3 =	vld.idx.msk [tilespmem:v2+s4+$0x380], $0xffff  }
0x11a: {  	v1 =	vmov s1;
	v4 =	vld.idx.msk [tilespmem:v2+s4+$0xFFFFFC80], $0xffff  }
0x11b: {  	v5 =	vld.idx.msk [tilespmem:v2+s4+$0xFFFFFD00], $0xffff  }
0x11c: {  	v6 =	vld.idx.msk [tilespmem:v2+s4+$0xFFFFFD80], $0xffff  }
0x11d: {  	v7 =	vld.idx.msk [tilespmem:v2+s4+$0xFFFFFE00], $0xffff  }
0x11e: {  	v8 =	vld.idx.msk [tilespmem:v2+s4+$0xFFFFFE80], $0xffff  }
0x11f: {  	v9 =	vld.idx.msk [tilespmem:v2+s4+$0xFFFFFF00], $0xffff;
	[tilespmem:v1+s31+$0x380 ss:$0x1] =	vst.idx.msk $0xffff, v3  }
0x120: {  	v10 =	vld.idx.msk [tilespmem:v2+s4+$0xFFFFFF80], $0xffff;
	[tilespmem:v1+s31+$0xFFFFF080 ss:$0x1] =	vst.idx.msk $0xffff, v4  }
0x121: {  	v11 =	vld.idx.msk [tilespmem:v2+s4+$0x0], $0xffff;
	[tilespmem:v1+s31+$0xFFFFF100 ss:$0x1] =	vst.idx.msk $0xffff, v5  }
0x122: {  	v12 =	vld.idx.msk [tilespmem:v2+s4+$0x80], $0xffff;
	[tilespmem:v1+s31+$0xFFFFF180 ss:$0x1] =	vst.idx.msk $0xffff, v6  }
0x123: {  	[tilespmem:v1+s31+$0xFFFFF200 ss:$0x1] =	vst.idx.msk $0xffff, v7;
	v3 =	vld.idx.msk [tilespmem:v2+s4+$0x100], $0xffff  }
0x124: {  	[tilespmem:v1+s31+$0xFFFFF280 ss:$0x1] =	vst.idx.msk $0xffff, v8;
	v4 =	vld.idx.msk [tilespmem:v2+s4+$0x180], $0xffff  }
0x125: {  	[tilespmem:v1+s31+$0xFFFFF300 ss:$0x1] =	vst.idx.msk $0xffff, v9;
	v5 =	vld.idx.msk [tilespmem:v2+s4+$0x200], $0xffff  }
0x126: {  	[tilespmem:v1+s31+$0xFFFFF380 ss:$0x1] =	vst.idx.msk $0xffff, v10;
	v7 =	vld.idx.msk [tilespmem:v2+s4+$0x280], $0xffff  }
0x127: {  	[tilespmem:v1+s31+$0x0 ss:$0x1] =	vst.idx.msk $0xffff, v11;
	v8 =	vld.idx.msk [tilespmem:v2+s4+$0x300], $0xffff  }
0x128: {  	s2 =	simm.s32 $0x0;
	s1 =	smov.u32 s31;
	v6 =	vld.idx.msk [tilespmem:v2+s4+$0xFFFFFC00], $0xffff;
	[tilespmem:v1+s31+$0x80 ss:$0x1] =	vst.idx.msk $0xffff, v12;
	s4 =	simm.s32 $0xC00  }
.LBB2_15:
0x129: {  	v9 =	vld.idx.msk [tilespmem:v2+s4+$0x380], $0xffff;
	s2 =	sadd.s32 $0x10, s2;
	[tilespmem:v1+s1+$0x100 ss:$0x1] =	vst.idx.msk $0xffff, v3  }
0x12a: {  	v3 =	vld.idx.msk [tilespmem:v2+s4+$0xFFFFFC80], $0xffff;
	p0 =	slt.u32 s2, $0x30;
	[tilespmem:v1+s1+$0x180 ss:$0x1] =	vst.idx.msk $0xffff, v4  }
0x12b: {  	v4 =	vld.idx.msk [tilespmem:v2+s4+$0xFFFFFD00], $0xffff;
	[tilespmem:v1+s1+$0x200 ss:$0x1] =	vst.idx.msk $0xffff, v5  }
0x12c: {  	v5 =	vld.idx.msk [tilespmem:v2+s4+$0xFFFFFD80], $0xffff;
	[tilespmem:v1+s1+$0x280 ss:$0x1] =	vst.idx.msk $0xffff, v7  }
0x12d: {  	v7 =	vld.idx.msk [tilespmem:v2+s4+$0xFFFFFE00], $0xffff;
	[tilespmem:v1+s1+$0x300 ss:$0x1] =	vst.idx.msk $0xffff, v8  }
0x12e: {  	v8 =	vld.idx.msk [tilespmem:v2+s4+$0xFFFFFE80], $0xffff;
	[tilespmem:v1+s1+$0xFFFFF000 ss:$0x1] =	vst.idx.msk $0xffff, v6;
	s1 =	sadd.s32 $0x2000, s1  }
0x12f: {  	v6 =	vld.idx.msk [tilespmem:v2+s4+$0xFFFFFF00], $0xffff;
	[tilespmem:v1+s1+$0x380 ss:$0x1] =	vst.idx.msk $0xffff, v9  }
0x130: {  	[tilespmem:v1+s1+$0xFFFFF080 ss:$0x1] =	vst.idx.msk $0xffff, v3;
	v9 =	vld.idx.msk [tilespmem:v2+s4+$0xFFFFFF80], $0xffff  }
0x131: {  	[tilespmem:v1+s1+$0xFFFFF100 ss:$0x1] =	vst.idx.msk $0xffff, v4;
	v10 =	vld.idx.msk [tilespmem:v2+s4+$0x0], $0xffff  }
0x132: {  	[tilespmem:v1+s1+$0xFFFFF180 ss:$0x1] =	vst.idx.msk $0xffff, v5;
	v11 =	vld.idx.msk [tilespmem:v2+s4+$0x80], $0xffff  }
0x133: {  	[tilespmem:v1+s1+$0xFFFFF200 ss:$0x1] =	vst.idx.msk $0xffff, v7;
	v3 =	vld.idx.msk [tilespmem:v2+s4+$0x100], $0xffff  }
.Ltmp6:
0x134: {  	[tilespmem:v1+s1+$0xFFFFF280 ss:$0x1] =	vst.idx.msk $0xffff, v8;
	v4 =	vld.idx.msk [tilespmem:v2+s4+$0x180], $0xffff;
	(pc) =	sbr.rel @p0 .LBB2_15-.Ltmp6, $4  }
0x135: {  	[tilespmem:v1+s1+$0xFFFFF300 ss:$0x1] =	vst.idx.msk $0xffff, v6;
	v5 =	vld.idx.msk [tilespmem:v2+s4+$0x200], $0xffff  }
0x136: {  	[tilespmem:v1+s1+$0xFFFFF380 ss:$0x1] =	vst.idx.msk $0xffff, v9;
	v7 =	vld.idx.msk [tilespmem:v2+s4+$0x280], $0xffff  }
0x137: {  	[tilespmem:v1+s1+$0x0 ss:$0x1] =	vst.idx.msk $0xffff, v10;
	v8 =	vld.idx.msk [tilespmem:v2+s4+$0x300], $0xffff  }
0x138: {  	v6 =	vld.idx.msk [tilespmem:v2+s4+$0xFFFFFC00], $0xffff;
	[tilespmem:v1+s1+$0x80 ss:$0x1] =	vst.idx.msk $0xffff, v11;
	s4 =	sadd.s32 $0x800, s4  }
0x139: {  	_ =	sdelay $0x2  }
0x13a: {  	s0 =	sadd.s32 $0x1, s0  }
0x13b: {  	[tilespmem:v1+s1+$0x100 ss:$0x1] =	vst.idx.msk $0xffff, v3;
	p0 =	sne.s32 s0, $0x18  }
.Ltmp7:
0x13c: {  	[tilespmem:v1+s1+$0x180 ss:$0x1] =	vst.idx.msk $0xffff, v4;
	(pc) =	sbr.rel @p0 .LBB2_14-.Ltmp7, $4  }
0x13d: {  	[tilespmem:v1+s1+$0x200 ss:$0x1] =	vst.idx.msk $0xffff, v5  }
0x13e: {  	[tilespmem:v1+s1+$0x280 ss:$0x1] =	vst.idx.msk $0xffff, v7  }
0x13f: {  	[tilespmem:v1+s1+$0x300 ss:$0x1] =	vst.idx.msk $0xffff, v8  }
0x140: {  	s3 =	sadd.s32 $0x80, s3;
	s31 =	sadd.s32 $0x10, s31;
	[tilespmem:v1+s1+$0xFFFFF000 ss:$0x1] =	vst.idx.msk $0xffff, v6  }
0x141: {  	s0 =	simm.s32 $0x2B00  }
0x142: {  	[hbm4b:s9+s5] =	stream.linear.scatter [tilespmem:s0], [sflag:$0x3], $0x400, $0x38;
	[tilespmem:$0xA300] =	vst v63  }
0x143: {  	s12 =	sadd.s32 $0x4000, s9;
	s1 =	simm.s32 $0x3B00  }
0x144: {  	[hbm4b:s12+s5] =	stream.linear.scatter [tilespmem:s1], [sflag:$0x3], $0x400, $0x38;
	[tilespmem:$0xA300] =	vst v63  }
0x145: {  	s2 =	sadd.s32 $0x8000, s9;
	s3 =	simm.s32 $0x4B00  }
0x146: {  	[hbm4b:s2+s5] =	stream.linear.scatter [tilespmem:s3], [sflag:$0x3], $0x400, $0x38;
	[tilespmem:$0xA300] =	vst v63  }
0x147: {  	s4 =	sadd.s32 $0xC000, s9;
	s12 =	simm.s32 $0x5B00  }
0x148: {  	[hbm4b:s4+s5] =	stream.linear.scatter [tilespmem:s12], [sflag:$0x3], $0x400, $0x38;
	[tilespmem:$0xA300] =	vst v63  }
0x149: {  	s1 =	sadd.s32 $0x10000, s9;
	s2 =	simm.s32 $0x6B00  }
0x14a: {  	[hbm4b:s1+s5] =	stream.linear.scatter [tilespmem:s2], [sflag:$0x3], $0x400, $0x38;
	[tilespmem:$0xA300] =	vst v63  }
0x14b: {  	s3 =	sadd.s32 $0x14000, s9  }
0x14c: {  	[hbm4b:s3+s5] =	stream.linear.scatter [tilespmem:s17], [sflag:$0x3], $0x400, $0x38;
	[tilespmem:$0xA300] =	vst v63  }
0x14d: {  	s31 =	simm.s32 $0x3300;
	s4 =	sadd.s32 $0x18000, s9  }
0x14e: {  	[hbm4b:s4+s5] =	stream.linear.scatter [tilespmem:s18], [sflag:$0x3], $0x400, $0x38;
	[tilespmem:$0xA300] =	vst v63  }
0x14f: {  	s0 =	simm.s32 $0x18;
	s12 =	sadd.s32 $0x1C000, s9;
	s3 =	simm.s32 $0xC00  }
0x150: {  	[hbm4b:s12+s5] =	stream.linear.scatter [tilespmem:s19], [sflag:$0x3], $0x400, $0x38;
	[tilespmem:$0xA300] =	vst v63  }
.LBB2_18:
0x151: {  	s1 =	sshll.u32 s0, $0x4  }
0x152: {  	v2 =	vld [tilespmem:s1+$0x2100];
	_ =	sdelay $0x5  }
0x153: {  	s12 =	sshll.u32 s3, $0x2  }
0x154: {  	s4 =	simm.s32 $0x400;
	s1 =	sand.u32 $0xFFFFF000, s12  }
0x155: {  	s1 =	sshra.s32 s1, $0x2;
	v3 =	vld.idx.msk [tilespmem:v2+s4+$0x380], $0xffff  }
0x156: {  	v1 =	vmov s1;
	v4 =	vld.idx.msk [tilespmem:v2+s4+$0xFFFFFC80], $0xffff  }
0x157: {  	v5 =	vld.idx.msk [tilespmem:v2+s4+$0xFFFFFD00], $0xffff  }
0x158: {  	v6 =	vld.idx.msk [tilespmem:v2+s4+$0xFFFFFD80], $0xffff  }
0x159: {  	v7 =	vld.idx.msk [tilespmem:v2+s4+$0xFFFFFE00], $0xffff  }
0x15a: {  	v8 =	vld.idx.msk [tilespmem:v2+s4+$0xFFFFFE80], $0xffff  }
0x15b: {  	v9 =	vld.idx.msk [tilespmem:v2+s4+$0xFFFFFF00], $0xffff;
	[tilespmem:v1+s31+$0x380 ss:$0x1] =	vst.idx.msk $0xffff, v3  }
0x15c: {  	v10 =	vld.idx.msk [tilespmem:v2+s4+$0xFFFFFF80], $0xffff;
	[tilespmem:v1+s31+$0xFFFFF080 ss:$0x1] =	vst.idx.msk $0xffff, v4  }
0x15d: {  	v11 =	vld.idx.msk [tilespmem:v2+s4+$0x0], $0xffff;
	[tilespmem:v1+s31+$0xFFFFF100 ss:$0x1] =	vst.idx.msk $0xffff, v5  }
0x15e: {  	v12 =	vld.idx.msk [tilespmem:v2+s4+$0x80], $0xffff;
	[tilespmem:v1+s31+$0xFFFFF180 ss:$0x1] =	vst.idx.msk $0xffff, v6  }
0x15f: {  	[tilespmem:v1+s31+$0xFFFFF200 ss:$0x1] =	vst.idx.msk $0xffff, v7;
	v3 =	vld.idx.msk [tilespmem:v2+s4+$0x100], $0xffff  }
0x160: {  	[tilespmem:v1+s31+$0xFFFFF280 ss:$0x1] =	vst.idx.msk $0xffff, v8;
	v4 =	vld.idx.msk [tilespmem:v2+s4+$0x180], $0xffff  }
0x161: {  	[tilespmem:v1+s31+$0xFFFFF300 ss:$0x1] =	vst.idx.msk $0xffff, v9;
	v5 =	vld.idx.msk [tilespmem:v2+s4+$0x200], $0xffff  }
0x162: {  	[tilespmem:v1+s31+$0xFFFFF380 ss:$0x1] =	vst.idx.msk $0xffff, v10;
	v7 =	vld.idx.msk [tilespmem:v2+s4+$0x280], $0xffff  }
0x163: {  	[tilespmem:v1+s31+$0x0 ss:$0x1] =	vst.idx.msk $0xffff, v11;
	v8 =	vld.idx.msk [tilespmem:v2+s4+$0x300], $0xffff  }
0x164: {  	s2 =	simm.s32 $0x0;
	s1 =	smov.u32 s31;
	v6 =	vld.idx.msk [tilespmem:v2+s4+$0xFFFFFC00], $0xffff;
	[tilespmem:v1+s31+$0x80 ss:$0x1] =	vst.idx.msk $0xffff, v12;
	s4 =	simm.s32 $0xC00  }
.LBB2_19:
0x165: {  	v9 =	vld.idx.msk [tilespmem:v2+s4+$0x380], $0xffff;
	s2 =	sadd.s32 $0x10, s2;
	[tilespmem:v1+s1+$0x100 ss:$0x1] =	vst.idx.msk $0xffff, v3  }
0x166: {  	v3 =	vld.idx.msk [tilespmem:v2+s4+$0xFFFFFC80], $0xffff;
	p0 =	slt.u32 s2, $0x30;
	[tilespmem:v1+s1+$0x180 ss:$0x1] =	vst.idx.msk $0xffff, v4  }
0x167: {  	v4 =	vld.idx.msk [tilespmem:v2+s4+$0xFFFFFD00], $0xffff;
	[tilespmem:v1+s1+$0x200 ss:$0x1] =	vst.idx.msk $0xffff, v5  }
0x168: {  	v5 =	vld.idx.msk [tilespmem:v2+s4+$0xFFFFFD80], $0xffff;
	[tilespmem:v1+s1+$0x280 ss:$0x1] =	vst.idx.msk $0xffff, v7  }
0x169: {  	v7 =	vld.idx.msk [tilespmem:v2+s4+$0xFFFFFE00], $0xffff;
	[tilespmem:v1+s1+$0x300 ss:$0x1] =	vst.idx.msk $0xffff, v8  }
0x16a: {  	v8 =	vld.idx.msk [tilespmem:v2+s4+$0xFFFFFE80], $0xffff;
	[tilespmem:v1+s1+$0xFFFFF000 ss:$0x1] =	vst.idx.msk $0xffff, v6;
	s1 =	sadd.s32 $0x2000, s1  }
0x16b: {  	v6 =	vld.idx.msk [tilespmem:v2+s4+$0xFFFFFF00], $0xffff;
	[tilespmem:v1+s1+$0x380 ss:$0x1] =	vst.idx.msk $0xffff, v9  }
0x16c: {  	[tilespmem:v1+s1+$0xFFFFF080 ss:$0x1] =	vst.idx.msk $0xffff, v3;
	v9 =	vld.idx.msk [tilespmem:v2+s4+$0xFFFFFF80], $0xffff  }
0x16d: {  	[tilespmem:v1+s1+$0xFFFFF100 ss:$0x1] =	vst.idx.msk $0xffff, v4;
	v10 =	vld.idx.msk [tilespmem:v2+s4+$0x0], $0xffff  }
0x16e: {  	[tilespmem:v1+s1+$0xFFFFF180 ss:$0x1] =	vst.idx.msk $0xffff, v5;
	v11 =	vld.idx.msk [tilespmem:v2+s4+$0x80], $0xffff  }
0x16f: {  	[tilespmem:v1+s1+$0xFFFFF200 ss:$0x1] =	vst.idx.msk $0xffff, v7;
	v3 =	vld.idx.msk [tilespmem:v2+s4+$0x100], $0xffff  }
.Ltmp8:
0x170: {  	[tilespmem:v1+s1+$0xFFFFF280 ss:$0x1] =	vst.idx.msk $0xffff, v8;
	v4 =	vld.idx.msk [tilespmem:v2+s4+$0x180], $0xffff;
	(pc) =	sbr.rel @p0 .LBB2_19-.Ltmp8, $4  }
0x171: {  	[tilespmem:v1+s1+$0xFFFFF300 ss:$0x1] =	vst.idx.msk $0xffff, v6;
	v5 =	vld.idx.msk [tilespmem:v2+s4+$0x200], $0xffff  }
0x172: {  	[tilespmem:v1+s1+$0xFFFFF380 ss:$0x1] =	vst.idx.msk $0xffff, v9;
	v7 =	vld.idx.msk [tilespmem:v2+s4+$0x280], $0xffff  }
0x173: {  	[tilespmem:v1+s1+$0x0 ss:$0x1] =	vst.idx.msk $0xffff, v10;
	v8 =	vld.idx.msk [tilespmem:v2+s4+$0x300], $0xffff  }
0x174: {  	v6 =	vld.idx.msk [tilespmem:v2+s4+$0xFFFFFC00], $0xffff;
	[tilespmem:v1+s1+$0x80 ss:$0x1] =	vst.idx.msk $0xffff, v11;
	s4 =	sadd.s32 $0x800, s4  }
0x175: {  	_ =	sdelay $0x2  }
0x176: {  	s0 =	sadd.s32 $0x1, s0  }
0x177: {  	[tilespmem:v1+s1+$0x100 ss:$0x1] =	vst.idx.msk $0xffff, v3;
	p0 =	sne.s32 s0, $0x20  }
.Ltmp9:
0x178: {  	[tilespmem:v1+s1+$0x180 ss:$0x1] =	vst.idx.msk $0xffff, v4;
	(pc) =	sbr.rel @p0 .LBB2_18-.Ltmp9, $4  }
0x179: {  	[tilespmem:v1+s1+$0x200 ss:$0x1] =	vst.idx.msk $0xffff, v5  }
0x17a: {  	[tilespmem:v1+s1+$0x280 ss:$0x1] =	vst.idx.msk $0xffff, v7  }
0x17b: {  	[tilespmem:v1+s1+$0x300 ss:$0x1] =	vst.idx.msk $0xffff, v8  }
0x17c: {  	s3 =	sadd.s32 $0x80, s3;
	s31 =	sadd.s32 $0x10, s31;
	[tilespmem:v1+s1+$0xFFFFF000 ss:$0x1] =	vst.idx.msk $0xffff, v6  }
0x17d: {  	[hbm4b:s10+s5] =	stream.linear.scatter [tilespmem:s20], [sflag:$0x3], $0x400, $0x38;
	[tilespmem:$0xA300] =	vst v63  }
0x17e: {  	s0 =	sadd.s32 $0x4000, s10  }
0x17f: {  	[hbm4b:s0+s5] =	stream.linear.scatter [tilespmem:s21], [sflag:$0x3], $0x400, $0x38;
	[tilespmem:$0xA300] =	vst v63  }
0x180: {  	s1 =	sadd.s32 $0x8000, s10  }
0x181: {  	[hbm4b:s1+s5] =	stream.linear.scatter [tilespmem:s22], [sflag:$0x3], $0x400, $0x38;
	[tilespmem:$0xA300] =	vst v63  }
0x182: {  	s2 =	sadd.s32 $0xC000, s10  }
0x183: {  	[hbm4b:s2+s5] =	stream.linear.scatter [tilespmem:s23], [sflag:$0x3], $0x400, $0x38;
	[tilespmem:$0xA300] =	vst v63  }
0x184: {  	s3 =	sadd.s32 $0x10000, s10  }
0x185: {  	[hbm4b:s3+s5] =	stream.linear.scatter [tilespmem:s24], [sflag:$0x3], $0x400, $0x38;
	[tilespmem:$0xA300] =	vst v63  }
0x186: {  	s4 =	sadd.s32 $0x14000, s10  }
0x187: {  	[hbm4b:s4+s5] =	stream.linear.scatter [tilespmem:s25], [sflag:$0x3], $0x400, $0x38;
	[tilespmem:$0xA300] =	vst v63  }
0x188: {  	s12 =	sadd.s32 $0x18000, s10  }
0x189: {  	[hbm4b:s12+s5] =	stream.linear.scatter [tilespmem:s26], [sflag:$0x3], $0x400, $0x38;
	[tilespmem:$0xA300] =	vst v63  }
0x18a: {  	s31 =	sadd.s32 $0x1C000, s10  }
0x18b: {  	[hbm4b:s31+s5] =	stream.linear.scatter [tilespmem:s28], [sflag:$0x3], $0x400, $0x38;
	[tilespmem:$0xA300] =	vst v63  }
0x18c: {  	_ =	swait.ge [sflag:s29], $0x2000  }
0x18d: {  	[sflag:s29] =	ssyncset.done $0x0  }
0x18e: {  	[sflag:s29] =	ssyncadd.s32 $0xFFFFE000  }
0x18f: {  	_ =	swait.ge [sflag:s29], $0x2000  }
0x190: {  	[sflag:s29] =	ssyncset.done $0x0  }
0x191: {  	s30 =	sadd.s32 $0x1, s30;
	[sflag:s29] =	ssyncadd.s32 $0xFFFFE000  }
0x192: {  	p0 =	sne.s32 s30, s11;
	_ =	swait.ge [sflag:s29], $0x2000  }
.Ltmp10:
0x193: {  	[sflag:s29] =	ssyncset.done $0x0;
	(pc) =	sbr.rel @p0 .LBB2_1-.Ltmp10, $4  }
0x194: {  	[sflag:s29] =	ssyncadd.s32 $0xFFFFE000  }
0x195: {  	_ =	swait.ge [sflag:s29], $0x2000  }
0x196: {  	[sflag:s29] =	ssyncset.done $0x0  }
0x197: {  	[sflag:s29] =	ssyncadd.s32 $0xFFFFE000  }
0x198: {  	_ =	sfence.sel $0x180000  }
0x199: {  	[bflag:$0x0] =	sbarrier.arrive $0xFFFF  }
0x19a: {  	_ =	strace $0x90000047  }
0x19b: {  	s0 =	stileid.u32;
	[bflag:$0x2] =	sbarrier.arrive $0xFFFF  }
0x19c: {  	p0 =	sne.s32 s0, $0x0;
	s0 =	rddreg [dreg:$0x5]  }
0x19d: {  	s0 =	sadd.s32 @!p0 $0x100000, s0  }
0x19e: {  	[sflag:s0] =	ssyncadd.tile.s32 @!p0 $0x1;
	_ =	shalt  }
.Lfunc_end2:
_tile_overlayer_lowered:
.L_overlay_start_2:
0x19f: {  	(tag) =	ssettag $0x2  }
0x1a0: {  	s0 =	rddreg [dreg:$0x0];
	s2 =	stileid.u32  }
0x1a1: {  	s1 =	rddreg [dreg:$0x1];
	p0 =	sne.s32 s2, $0x0  }
0x1a2: {  	s3 =	rddreg [dreg:$0x2];
	[bflag:$0x3] =	sbarrier.arrive $0xFFFF;
	s2 =	simm.s32 @!p0 $0x1C04  }
0x1a3: {  	[timem:s3], [sflag:s2] =	dma.local @!p0 [hbm:s0], s1  }
0x1a4: {  	s0 =	simm.s32 @!p0 $0x4  }
0x1a5: {  	_ =	swait.ge @!p0 [sflag:s0], s1  }
0x1a6: {  	s1 =	ssub.s32 @!p0 $0x0, s1;
	[sflag:s0] =	ssyncset.done @!p0 $0x0  }
0x1a7: {  	[sflag:s0] =	ssyncadd.s32 @!p0 s1  }
0x1a8: {  	[bflag:$0x3] =	sbarrier.arrive $0xFFFF  }
0x1a9: {  	_ =	shalt  }

</sc_bundles>
